<compile_context>
chip_gen: v7x
topology: tpu7x:2x2x1
jax: 0.10.2.dev20260603
libtpu: 0.0.44.dev20260713+nightly
codegen_flags: <defaults>
</compile_context>

<pallas_src>
import functools

import jax
import jax.numpy as jnp
from jax import lax
from jax.experimental import pallas as pl
from jax.experimental.pallas import tpu as pltpu
from jax.experimental.pallas import tpu_sc as plsc

N = 320000
C = 128
B = 16
NUM_CORES = 2
NUM_SUBCORES = 16
NW = NUM_CORES * NUM_SUBCORES
ROWS_PER_W = N // NW
R = 200
NCHUNK = ROWS_PER_W // R
NBUF = 2
NGRP = NCHUNK // NBUF
VPR = C // 16

_mesh = plsc.VectorSubcoreMesh(core_axis_name="c", subcore_axis_name="s")


@functools.partial(
    pl.kernel,
    out_type=jax.ShapeDtypeStruct((N, C), jnp.float32),
    mesh=_mesh,
    scratch_types=[
        pltpu.VMEM((B, C), jnp.float32),
        pltpu.VMEM((R, C), jnp.float32),
        pltpu.VMEM((R, C), jnp.float32),
        pltpu.VMEM((R, C), jnp.float32),
        pltpu.VMEM((R, C), jnp.float32),
        pltpu.VMEM((R + 16,), jnp.int32),
        pltpu.VMEM((R + 16,), jnp.int32),
        pltpu.SemaphoreType.DMA,
        pltpu.SemaphoreType.DMA,
        pltpu.SemaphoreType.DMA,
        pltpu.SemaphoreType.DMA,
    ],
)
def _broadcast_add(feat_hbm, glob_hbm, ids_hbm, out_hbm, table_v,
                   in0, in1, out0, out1, ids0, ids1,
                   isem0, isem1, osem0, osem1):
    wid = lax.axis_index("s") * NUM_CORES + lax.axis_index("c")
    base = wid * ROWS_PER_W
    in_bufs = (in0, in1)
    out_bufs = (out0, out1)
    ids_bufs = (ids0, ids1)
    in_sems = (isem0, isem1)
    out_sems = (osem0, osem1)

    pltpu.sync_copy(glob_hbm, table_v)

    def start_in(j, b):
        off = base + j * R
        pltpu.async_copy(ids_hbm.at[pl.ds(off, R)], ids_bufs[b].at[pl.ds(0, R)],
                         in_sems[b])
        pltpu.async_copy(feat_hbm.at[pl.ds(off, R)], in_bufs[b], in_sems[b])

    def wait_in(b):
        pltpu.make_async_copy(ids_hbm.at[pl.ds(0, R)], ids_bufs[b].at[pl.ds(0, R)],
                              in_sems[b]).wait()
        pltpu.make_async_copy(feat_hbm.at[pl.ds(0, R)], in_bufs[b], in_sems[b]).wait()

    def wait_out(b):
        pltpu.make_async_copy(out_hbm.at[pl.ds(0, R)], out_bufs[b], out_sems[b]).wait()

    def compute(b):
        in_v, out_v, ids_v = in_bufs[b], out_bufs[b], ids_bufs[b]
        first = ids_v[pl.ds(0, 16)][0]
        last = ids_v[pl.ds(R - 16, 16)][15]

        def fast():
            tab = [table_v[first, pl.ds(k * 16, 16)] for k in range(VPR)]

            def row_body(r, c2):
                for k in range(VPR):
                    sl = pl.ds(k * 16, 16)
                    out_v[r, sl] = in_v[r, sl] + tab[k]
                return c2

            lax.fori_loop(0, R, row_body, 0)

        def slow():
            def row_body(r, c2):
                rid = ids_v[pl.ds(r, 16)][0]
                for k in range(VPR):
                    sl = pl.ds(k * 16, 16)
                    out_v[r, sl] = in_v[r, sl] + table_v[rid, sl]
                return c2

            lax.fori_loop(0, R, row_body, 0)

        lax.cond(first == last, fast, slow)

    for b in range(NBUF):
        start_in(b, b)

    def group_body(g, carry):
        for b in range(NBUF):
            j = g * NBUF + b
            wait_in(b)

            @pl.when(g >= 1)
            def _():
                wait_out(b)

            compute(b)
            off = base + j * R
            pltpu.async_copy(out_bufs[b], out_hbm.at[pl.ds(off, R)], out_sems[b])

            @pl.when(g < NGRP - 1)
            def _():
                start_in(j + NBUF, b)

        return carry

    lax.fori_loop(0, NGRP, group_body, 0)
    for b in range(NBUF):
        wait_out(b)


def kernel(input_features, input_features_global, batch_ids):
    ids = batch_ids.astype(jnp.int32)
    return _broadcast_add(input_features, input_features_global, ids)

# --- scband reference (transcript-rebuilt; emitter-appended) ---
"""Pipeline reference for scband-abstract-minkowski-broadcast-54357106098850 (READ-ONLY COPY).

The authoritative reference and input builder live on the scoring server;
editing this copy changes nothing except your own understanding.
"""

import jax, jax.numpy as jnp
import numpy as np

N = 320000
C = 128
B = 16

def setup_inputs(seed: int = 0) -> dict:
    key = jax.random.key(seed)
    k1, k2, k3 = jax.random.split(key, 3)
    input_features = jax.random.normal(k1, (N, C), dtype=jnp.float32)
    input_features_global = jax.random.normal(k2, (B, C), dtype=jnp.float32)
    batch_ids = jnp.sort(jax.random.randint(k3, (N,), 0, B, dtype=jnp.int64))
    return {
        "input_features": input_features,
        "input_features_global": input_features_global,
        "batch_ids": batch_ids,
    }


def reference(input_features, input_features_global, batch_ids):
    # MinkowskiBroadcast with OperationType.ADDITION:
    # each point's feature gets the global (per-batch-instance) feature
    # broadcast onto it. batch_ids maps each sparse coordinate row to its
    # batch instance, equivalent to the coords_key/coords_manager lookup.
    gathered = jnp.take(input_features_global, batch_ids, axis=0)
    out_feat = input_features + gathered
    return out_feat

if __name__ == "__main__":
    import jax
    _d = setup_inputs()
    print(jax.jit(kernel)(*tuple(_d.values())))

</pallas_src>

<mosaic_0001>
#map = affine_map<(d0, d1) -> (0, 0)>
#map1 = affine_map<(d0, d1) -> (0)>
module attributes {stable_mosaic.version = 14 : i64} {
  func.func @_broadcast_add(%arg0: i32, %arg1: i32, %arg2: memref<320000x128xf32, #tpu.memory_space<hbm>>, %arg3: memref<16x128xf32, #tpu.memory_space<hbm>>, %arg4: memref<320000xi32, #tpu.memory_space<hbm>>, %arg5: memref<320000x128xf32, #tpu.memory_space<hbm>>, %arg6: memref<16x128xf32, #tpu.memory_space<vmem>>, %arg7: memref<200x128xf32, #tpu.memory_space<vmem>>, %arg8: memref<200x128xf32, #tpu.memory_space<vmem>>, %arg9: memref<200x128xf32, #tpu.memory_space<vmem>>, %arg10: memref<200x128xf32, #tpu.memory_space<vmem>>, %arg11: memref<216xi32, #tpu.memory_space<vmem>>, %arg12: memref<216xi32, #tpu.memory_space<vmem>>, %arg13: memref<!tpu.dma_semaphore, #tpu.memory_space<semaphore_mem>>, %arg14: memref<!tpu.dma_semaphore, #tpu.memory_space<semaphore_mem>>, %arg15: memref<!tpu.dma_semaphore, #tpu.memory_space<semaphore_mem>>, %arg16: memref<!tpu.dma_semaphore, #tpu.memory_space<semaphore_mem>>) attributes {dimension_semantics = [#tpu.dimension_semantics<core_parallel>, #tpu.dimension_semantics<subcore_parallel>], iteration_bounds = array<i64: 2, 16>, scalar_prefetch = 0 : i64, scratch_operands = 11 : i64, tpu.core_type = #tpu.core_type<sc_vector_subcore>, window_params = [{transform_indices = #map}, {transform_indices = #map}, {transform_indices = #map1}, {transform_indices = #map}]} {
    %mul3A = arith.constant 2 : i32
    %mul3A_0 = arith.muli %arg1, %mul3A : i32
    %add3A = arith.addi %mul3A_0, %arg0 : i32
    %mul3A_1 = arith.constant 10000 : i32
    %mul3A_2 = arith.muli %add3A, %mul3A_1 : i32
    "tpu.region"() ({
      %run_scoped3A = tpu.sem_alloc : memref<!tpu.dma_semaphore, #tpu.memory_space<semaphore_mem>>
      tpu.enqueue_dma source(%arg3 : memref<16x128xf32, #tpu.memory_space<hbm>>) target(%arg6 : memref<16x128xf32, #tpu.memory_space<vmem>>) target_semaphore(%run_scoped3A : memref<!tpu.dma_semaphore, #tpu.memory_space<semaphore_mem>>)
      tpu.wait_dma2 semaphore(%run_scoped3A : memref<!tpu.dma_semaphore, #tpu.memory_space<semaphore_mem>>) src(%arg3 : memref<16x128xf32, #tpu.memory_space<hbm>>) dst(%arg6 : memref<16x128xf32, #tpu.memory_space<vmem>>)
      tpu.yield
    }) : () -> ()
    %add3A_3 = arith.constant 0 : i32
    %add3A_4 = arith.addi %mul3A_2, %add3A_3 : i32
    %dma_start3A = arith.constant 0 : i32
    %dma_start3A_5 = tpu.memref_slice %arg11[%dma_start3A] : memref<216xi32, #tpu.memory_space<vmem>> -> memref<200xi32, #tpu.memory_space<vmem>>
    %dma_start3A_6 = tpu.memref_slice %arg4[%add3A_4] : memref<320000xi32, #tpu.memory_space<hbm>> -> memref<200xi32, #tpu.memory_space<hbm>>
    %dma_start3A_7 = arith.constant 0 : i32
    %dma_start3A_8 = tpu.memref_slice %arg11[%dma_start3A_7] : memref<216xi32, #tpu.memory_space<vmem>> -> memref<200xi32, #tpu.memory_space<vmem>>
    %dma_start3A_9 = tpu.memref_slice %arg4[%add3A_4] : memref<320000xi32, #tpu.memory_space<hbm>> -> memref<200xi32, #tpu.memory_space<hbm>>
    tpu.enqueue_dma source(%dma_start3A_9 : memref<200xi32, #tpu.memory_space<hbm>>) target(%dma_start3A_8 : memref<200xi32, #tpu.memory_space<vmem>>) target_semaphore(%arg13 : memref<!tpu.dma_semaphore, #tpu.memory_space<semaphore_mem>>)
    %dma_start3A_10 = arith.constant 0 : i32
    %dma_start3A_11 = tpu.memref_slice %arg2[%add3A_4, %dma_start3A_10] : memref<320000x128xf32, #tpu.memory_space<hbm>> -> memref<200x128xf32, #tpu.memory_space<hbm>>
    %dma_start3A_12 = arith.constant 0 : i32
    %dma_start3A_13 = tpu.memref_slice %arg2[%add3A_4, %dma_start3A_12] : memref<320000x128xf32, #tpu.memory_space<hbm>> -> memref<200x128xf32, #tpu.memory_space<hbm>>
    tpu.enqueue_dma source(%dma_start3A_13 : memref<200x128xf32, #tpu.memory_space<hbm>>) target(%arg7 : memref<200x128xf32, #tpu.memory_space<vmem>>) target_semaphore(%arg13 : memref<!tpu.dma_semaphore, #tpu.memory_space<semaphore_mem>>)
    %add3A_14 = arith.constant 200 : i32
    %add3A_15 = arith.addi %mul3A_2, %add3A_14 : i32
    %dma_start3A_16 = arith.constant 0 : i32
    %dma_start3A_17 = tpu.memref_slice %arg12[%dma_start3A_16] : memref<216xi32, #tpu.memory_space<vmem>> -> memref<200xi32, #tpu.memory_space<vmem>>
    %dma_start3A_18 = tpu.memref_slice %arg4[%add3A_15] : memref<320000xi32, #tpu.memory_space<hbm>> -> memref<200xi32, #tpu.memory_space<hbm>>
    %dma_start3A_19 = arith.constant 0 : i32
    %dma_start3A_20 = tpu.memref_slice %arg12[%dma_start3A_19] : memref<216xi32, #tpu.memory_space<vmem>> -> memref<200xi32, #tpu.memory_space<vmem>>
    %dma_start3A_21 = tpu.memref_slice %arg4[%add3A_15] : memref<320000xi32, #tpu.memory_space<hbm>> -> memref<200xi32, #tpu.memory_space<hbm>>
    tpu.enqueue_dma source(%dma_start3A_21 : memref<200xi32, #tpu.memory_space<hbm>>) target(%dma_start3A_20 : memref<200xi32, #tpu.memory_space<vmem>>) target_semaphore(%arg14 : memref<!tpu.dma_semaphore, #tpu.memory_space<semaphore_mem>>)
    %dma_start3A_22 = arith.constant 0 : i32
    %dma_start3A_23 = tpu.memref_slice %arg2[%add3A_15, %dma_start3A_22] : memref<320000x128xf32, #tpu.memory_space<hbm>> -> memref<200x128xf32, #tpu.memory_space<hbm>>
    %dma_start3A_24 = arith.constant 0 : i32
    %dma_start3A_25 = tpu.memref_slice %arg2[%add3A_15, %dma_start3A_24] : memref<320000x128xf32, #tpu.memory_space<hbm>> -> memref<200x128xf32, #tpu.memory_space<hbm>>
    tpu.enqueue_dma source(%dma_start3A_25 : memref<200x128xf32, #tpu.memory_space<hbm>>) target(%arg8 : memref<200x128xf32, #tpu.memory_space<vmem>>) target_semaphore(%arg14 : memref<!tpu.dma_semaphore, #tpu.memory_space<semaphore_mem>>)
    %scan3A = arith.constant 0 : i32
    %scan3A_26 = arith.constant 0 : i32
    %scan3A_27 = arith.constant 25 : i32
    %scan3A_28 = arith.addi %scan3A_26, %scan3A_27 : i32
    %scan3A_29 = arith.constant 1 : i32
    scf.for %scan3A_42 = %scan3A_26 to %scan3A_28 step %scan3A_29  : i32 {
      %mul3A_43 = arith.constant 2 : i32
      %mul3A_44 = arith.muli %scan3A_42, %mul3A_43 : i32
      %add3A_45 = arith.constant 0 : i32
      %add3A_46 = arith.addi %mul3A_44, %add3A_45 : i32
      %dma_wait3A_47 = arith.constant 0 : i32
      %dma_wait3A_48 = tpu.memref_slice %arg11[%dma_wait3A_47] : memref<216xi32, #tpu.memory_space<vmem>> -> memref<200xi32, #tpu.memory_space<vmem>>
      %dma_wait3A_49 = arith.constant 0 : i32
      %dma_wait3A_50 = tpu.memref_slice %arg4[%dma_wait3A_49] : memref<320000xi32, #tpu.memory_space<hbm>> -> memref<200xi32, #tpu.memory_space<hbm>>
      %dma_wait3A_51 = arith.constant 0 : i32
      %dma_wait3A_52 = tpu.memref_slice %arg11[%dma_wait3A_51] : memref<216xi32, #tpu.memory_space<vmem>> -> memref<200xi32, #tpu.memory_space<vmem>>
      %dma_wait3A_53 = arith.constant 0 : i32
      %dma_wait3A_54 = tpu.memref_slice %arg4[%dma_wait3A_53] : memref<320000xi32, #tpu.memory_space<hbm>> -> memref<200xi32, #tpu.memory_space<hbm>>
      tpu.wait_dma2 semaphore(%arg13 : memref<!tpu.dma_semaphore, #tpu.memory_space<semaphore_mem>>) src(%dma_wait3A_54 : memref<200xi32, #tpu.memory_space<hbm>>) dst(%dma_wait3A_52 : memref<200xi32, #tpu.memory_space<vmem>>)
      %dma_wait3A_55 = arith.constant 0 : i32
      %dma_wait3A_56 = arith.constant 0 : i32
      %dma_wait3A_57 = tpu.memref_slice %arg2[%dma_wait3A_55, %dma_wait3A_56] : memref<320000x128xf32, #tpu.memory_space<hbm>> -> memref<200x128xf32, #tpu.memory_space<hbm>>
      %dma_wait3A_58 = arith.constant 0 : i32
      %dma_wait3A_59 = arith.constant 0 : i32
      %dma_wait3A_60 = tpu.memref_slice %arg2[%dma_wait3A_58, %dma_wait3A_59] : memref<320000x128xf32, #tpu.memory_space<hbm>> -> memref<200x128xf32, #tpu.memory_space<hbm>>
      tpu.wait_dma2 semaphore(%arg13 : memref<!tpu.dma_semaphore, #tpu.memory_space<semaphore_mem>>) src(%dma_wait3A_60 : memref<200x128xf32, #tpu.memory_space<hbm>>) dst(%arg7 : memref<200x128xf32, #tpu.memory_space<vmem>>)
      %ge3A = arith.constant 1 : i32
      %ge3A_61 = arith.cmpi sge, %scan3A_42, %ge3A : i32
      %convert_element_type3A = arith.extui %ge3A_61 : i1 to i32
      %cond3A = arith.constant 0 : i32
      %cond3A_62 = arith.cmpi ne, %convert_element_type3A, %cond3A : i32
      scf.if %cond3A_62 {
        %dma_wait3A_133 = arith.constant 0 : i32
        %dma_wait3A_134 = arith.constant 0 : i32
        %dma_wait3A_135 = tpu.memref_slice %arg5[%dma_wait3A_133, %dma_wait3A_134] : memref<320000x128xf32, #tpu.memory_space<hbm>> -> memref<200x128xf32, #tpu.memory_space<hbm>>
        %dma_wait3A_136 = arith.constant 0 : i32
        %dma_wait3A_137 = arith.constant 0 : i32
        %dma_wait3A_138 = tpu.memref_slice %arg5[%dma_wait3A_136, %dma_wait3A_137] : memref<320000x128xf32, #tpu.memory_space<hbm>> -> memref<200x128xf32, #tpu.memory_space<hbm>>
        tpu.wait_dma2 semaphore(%arg15 : memref<!tpu.dma_semaphore, #tpu.memory_space<semaphore_mem>>) src(%dma_wait3A_138 : memref<200x128xf32, #tpu.memory_space<hbm>>) dst(%arg9 : memref<200x128xf32, #tpu.memory_space<vmem>>)
      } else {
      }
      %get3A = arith.constant 0 : index
      %get3A_63 = tpu.vector_load %arg11[%get3A] {strides = array<i32>} : memref<216xi32, #tpu.memory_space<vmem>>, vector<16xi32>,
      %get3A_64 = vector.shape_cast %get3A_63 : vector<16xi32> to vector<16xi32>
      %slice3A = vector.extract_strided_slice %get3A_64 {offsets = [0], sizes = [1], strides = [1]} : vector<16xi32> to vector<1xi32>
      %squeeze3A = vector.extract %slice3A[0] : i32 from vector<1xi32>
      %get3A_65 = arith.constant 184 : index
      %get3A_66 = tpu.vector_load %arg11[%get3A_65] {strides = array<i32>} : memref<216xi32, #tpu.memory_space<vmem>>, vector<16xi32>,
      %get3A_67 = vector.shape_cast %get3A_66 : vector<16xi32> to vector<16xi32>
      %slice3A_68 = vector.extract_strided_slice %get3A_67 {offsets = [15], sizes = [1], strides = [1]} : vector<16xi32> to vector<1xi32>
      %squeeze3A_69 = vector.extract %slice3A_68[0] : i32 from vector<1xi32>
      %eq3A = arith.cmpi eq, %squeeze3A, %squeeze3A_69 : i32
      %convert_element_type3A_70 = arith.extui %eq3A : i1 to i32
      %cond3A_71 = arith.constant 0 : i32
      %cond3A_72 = arith.cmpi ne, %convert_element_type3A_70, %cond3A_71 : i32
      scf.if %cond3A_72 {
        %get3A_133 = arith.index_cast %squeeze3A : i32 to index
        %get3A_134 = arith.constant 0 : index
        %get3A_135 = tpu.vector_load %arg6[%get3A_133, %get3A_134] {strides = array<i32>} : memref<16x128xf32, #tpu.memory_space<vmem>>, vector<1x16xf32>,
        %get3A_136 = vector.shape_cast %get3A_135 : vector<1x16xf32> to vector<16xf32>
        %get3A_137 = arith.index_cast %squeeze3A : i32 to index
        %get3A_138 = arith.constant 16 : index
        %get3A_139 = tpu.vector_load %arg6[%get3A_137, %get3A_138] {strides = array<i32>} : memref<16x128xf32, #tpu.memory_space<vmem>>, vector<1x16xf32>,
        %get3A_140 = vector.shape_cast %get3A_139 : vector<1x16xf32> to vector<16xf32>
        %get3A_141 = arith.index_cast %squeeze3A : i32 to index
        %get3A_142 = arith.constant 32 : index
        %get3A_143 = tpu.vector_load %arg6[%get3A_141, %get3A_142] {strides = array<i32>} : memref<16x128xf32, #tpu.memory_space<vmem>>, vector<1x16xf32>,
        %get3A_144 = vector.shape_cast %get3A_143 : vector<1x16xf32> to vector<16xf32>
        %get3A_145 = arith.index_cast %squeeze3A : i32 to index
        %get3A_146 = arith.constant 48 : index
        %get3A_147 = tpu.vector_load %arg6[%get3A_145, %get3A_146] {strides = array<i32>} : memref<16x128xf32, #tpu.memory_space<vmem>>, vector<1x16xf32>,
        %get3A_148 = vector.shape_cast %get3A_147 : vector<1x16xf32> to vector<16xf32>
        %get3A_149 = arith.index_cast %squeeze3A : i32 to index
        %get3A_150 = arith.constant 64 : index
        %get3A_151 = tpu.vector_load %arg6[%get3A_149, %get3A_150] {strides = array<i32>} : memref<16x128xf32, #tpu.memory_space<vmem>>, vector<1x16xf32>,
        %get3A_152 = vector.shape_cast %get3A_151 : vector<1x16xf32> to vector<16xf32>
        %get3A_153 = arith.index_cast %squeeze3A : i32 to index
        %get3A_154 = arith.constant 80 : index
        %get3A_155 = tpu.vector_load %arg6[%get3A_153, %get3A_154] {strides = array<i32>} : memref<16x128xf32, #tpu.memory_space<vmem>>, vector<1x16xf32>,
        %get3A_156 = vector.shape_cast %get3A_155 : vector<1x16xf32> to vector<16xf32>
        %get3A_157 = arith.index_cast %squeeze3A : i32 to index
        %get3A_158 = arith.constant 96 : index
        %get3A_159 = tpu.vector_load %arg6[%get3A_157, %get3A_158] {strides = array<i32>} : memref<16x128xf32, #tpu.memory_space<vmem>>, vector<1x16xf32>,
        %get3A_160 = vector.shape_cast %get3A_159 : vector<1x16xf32> to vector<16xf32>
        %get3A_161 = arith.index_cast %squeeze3A : i32 to index
        %get3A_162 = arith.constant 112 : index
        %get3A_163 = tpu.vector_load %arg6[%get3A_161, %get3A_162] {strides = array<i32>} : memref<16x128xf32, #tpu.memory_space<vmem>>, vector<1x16xf32>,
        %get3A_164 = vector.shape_cast %get3A_163 : vector<1x16xf32> to vector<16xf32>
        %scan3A_165 = arith.constant 0 : i32
        %scan3A_166 = arith.constant 0 : i32
        %scan3A_167 = arith.constant 200 : i32
        %scan3A_168 = arith.addi %scan3A_166, %scan3A_167 : i32
        %scan3A_169 = arith.constant 1 : i32
        scf.for %scan3A_171 = %scan3A_166 to %scan3A_168 step %scan3A_169  : i32 {
          %get3A_172 = arith.index_cast %scan3A_171 : i32 to index
          %get3A_173 = arith.constant 0 : index
          %get3A_174 = tpu.vector_load %arg7[%get3A_172, %get3A_173] {strides = array<i32>} : memref<200x128xf32, #tpu.memory_space<vmem>>, vector<1x16xf32>,
          %get3A_175 = vector.shape_cast %get3A_174 : vector<1x16xf32> to vector<16xf32>
          %add3A_176 = arith.addf %get3A_175, %get3A_136 : vector<16xf32>
          %swap3A = arith.index_cast %scan3A_171 : i32 to index
          %swap3A_177 = arith.constant 0 : index
          %swap3A_178 = tpu.vector_load %arg9[%swap3A, %swap3A_177] {strides = array<i32>} : memref<200x128xf32, #tpu.memory_space<vmem>>, vector<1x16xf32>,
          %swap3A_179 = vector.shape_cast %swap3A_178 : vector<1x16xf32> to vector<16xf32>
          %swap3A_180 = vector.shape_cast %add3A_176 : vector<16xf32> to vector<1x16xf32>
          tpu.vector_store %arg9[%swap3A, %swap3A_177], %swap3A_180 {strides = array<i32>} : memref<200x128xf32, #tpu.memory_space<vmem>>, vector<1x16xf32>,
          %get3A_181 = arith.index_cast %scan3A_171 : i32 to index
          %get3A_182 = arith.constant 16 : index
          %get3A_183 = tpu.vector_load %arg7[%get3A_181, %get3A_182] {strides = array<i32>} : memref<200x128xf32, #tpu.memory_space<vmem>>, vector<1x16xf32>,
          %get3A_184 = vector.shape_cast %get3A_183 : vector<1x16xf32> to vector<16xf32>
          %add3A_185 = arith.addf %get3A_184, %get3A_140 : vector<16xf32>
          %swap3A_186 = arith.index_cast %scan3A_171 : i32 to index
          %swap3A_187 = arith.constant 16 : index
          %swap3A_188 = tpu.vector_load %arg9[%swap3A_186, %swap3A_187] {strides = array<i32>} : memref<200x128xf32, #tpu.memory_space<vmem>>, vector<1x16xf32>,
          %swap3A_189 = vector.shape_cast %swap3A_188 : vector<1x16xf32> to vector<16xf32>
          %swap3A_190 = vector.shape_cast %add3A_185 : vector<16xf32> to vector<1x16xf32>
          tpu.vector_store %arg9[%swap3A_186, %swap3A_187], %swap3A_190 {strides = array<i32>} : memref<200x128xf32, #tpu.memory_space<vmem>>, vector<1x16xf32>,
          %get3A_191 = arith.index_cast %scan3A_171 : i32 to index
          %get3A_192 = arith.constant 32 : index
          %get3A_193 = tpu.vector_load %arg7[%get3A_191, %get3A_192] {strides = array<i32>} : memref<200x128xf32, #tpu.memory_space<vmem>>, vector<1x16xf32>,
          %get3A_194 = vector.shape_cast %get3A_193 : vector<1x16xf32> to vector<16xf32>
          %add3A_195 = arith.addf %get3A_194, %get3A_144 : vector<16xf32>
          %swap3A_196 = arith.index_cast %scan3A_171 : i32 to index
          %swap3A_197 = arith.constant 32 : index
          %swap3A_198 = tpu.vector_load %arg9[%swap3A_196, %swap3A_197] {strides = array<i32>} : memref<200x128xf32, #tpu.memory_space<vmem>>, vector<1x16xf32>,
          %swap3A_199 = vector.shape_cast %swap3A_198 : vector<1x16xf32> to vector<16xf32>
          %swap3A_200 = vector.shape_cast %add3A_195 : vector<16xf32> to vector<1x16xf32>
          tpu.vector_store %arg9[%swap3A_196, %swap3A_197], %swap3A_200 {strides = array<i32>} : memref<200x128xf32, #tpu.memory_space<vmem>>, vector<1x16xf32>,
          %get3A_201 = arith.index_cast %scan3A_171 : i32 to index
          %get3A_202 = arith.constant 48 : index
          %get3A_203 = tpu.vector_load %arg7[%get3A_201, %get3A_202] {strides = array<i32>} : memref<200x128xf32, #tpu.memory_space<vmem>>, vector<1x16xf32>,
          %get3A_204 = vector.shape_cast %get3A_203 : vector<1x16xf32> to vector<16xf32>
          %add3A_205 = arith.addf %get3A_204, %get3A_148 : vector<16xf32>
          %swap3A_206 = arith.index_cast %scan3A_171 : i32 to index
          %swap3A_207 = arith.constant 48 : index
          %swap3A_208 = tpu.vector_load %arg9[%swap3A_206, %swap3A_207] {strides = array<i32>} : memref<200x128xf32, #tpu.memory_space<vmem>>, vector<1x16xf32>,
          %swap3A_209 = vector.shape_cast %swap3A_208 : vector<1x16xf32> to vector<16xf32>
          %swap3A_210 = vector.shape_cast %add3A_205 : vector<16xf32> to vector<1x16xf32>
          tpu.vector_store %arg9[%swap3A_206, %swap3A_207], %swap3A_210 {strides = array<i32>} : memref<200x128xf32, #tpu.memory_space<vmem>>, vector<1x16xf32>,
          %get3A_211 = arith.index_cast %scan3A_171 : i32 to index
          %get3A_212 = arith.constant 64 : index
          %get3A_213 = tpu.vector_load %arg7[%get3A_211, %get3A_212] {strides = array<i32>} : memref<200x128xf32, #tpu.memory_space<vmem>>, vector<1x16xf32>,
          %get3A_214 = vector.shape_cast %get3A_213 : vector<1x16xf32> to vector<16xf32>
          %add3A_215 = arith.addf %get3A_214, %get3A_152 : vector<16xf32>
          %swap3A_216 = arith.index_cast %scan3A_171 : i32 to index
          %swap3A_217 = arith.constant 64 : index
          %swap3A_218 = tpu.vector_load %arg9[%swap3A_216, %swap3A_217] {strides = array<i32>} : memref<200x128xf32, #tpu.memory_space<vmem>>, vector<1x16xf32>,
          %swap3A_219 = vector.shape_cast %swap3A_218 : vector<1x16xf32> to vector<16xf32>
          %swap3A_220 = vector.shape_cast %add3A_215 : vector<16xf32> to vector<1x16xf32>
          tpu.vector_store %arg9[%swap3A_216, %swap3A_217], %swap3A_220 {strides = array<i32>} : memref<200x128xf32, #tpu.memory_space<vmem>>, vector<1x16xf32>,
          %get3A_221 = arith.index_cast %scan3A_171 : i32 to index
          %get3A_222 = arith.constant 80 : index
          %get3A_223 = tpu.vector_load %arg7[%get3A_221, %get3A_222] {strides = array<i32>} : memref<200x128xf32, #tpu.memory_space<vmem>>, vector<1x16xf32>,
          %get3A_224 = vector.shape_cast %get3A_223 : vector<1x16xf32> to vector<16xf32>
          %add3A_225 = arith.addf %get3A_224, %get3A_156 : vector<16xf32>
          %swap3A_226 = arith.index_cast %scan3A_171 : i32 to index
          %swap3A_227 = arith.constant 80 : index
          %swap3A_228 = tpu.vector_load %arg9[%swap3A_226, %swap3A_227] {strides = array<i32>} : memref<200x128xf32, #tpu.memory_space<vmem>>, vector<1x16xf32>,
          %swap3A_229 = vector.shape_cast %swap3A_228 : vector<1x16xf32> to vector<16xf32>
          %swap3A_230 = vector.shape_cast %add3A_225 : vector<16xf32> to vector<1x16xf32>
          tpu.vector_store %arg9[%swap3A_226, %swap3A_227], %swap3A_230 {strides = array<i32>} : memref<200x128xf32, #tpu.memory_space<vmem>>, vector<1x16xf32>,
          %get3A_231 = arith.index_cast %scan3A_171 : i32 to index
          %get3A_232 = arith.constant 96 : index
          %get3A_233 = tpu.vector_load %arg7[%get3A_231, %get3A_232] {strides = array<i32>} : memref<200x128xf32, #tpu.memory_space<vmem>>, vector<1x16xf32>,
          %get3A_234 = vector.shape_cast %get3A_233 : vector<1x16xf32> to vector<16xf32>
          %add3A_235 = arith.addf %get3A_234, %get3A_160 : vector<16xf32>
          %swap3A_236 = arith.index_cast %scan3A_171 : i32 to index
          %swap3A_237 = arith.constant 96 : index
          %swap3A_238 = tpu.vector_load %arg9[%swap3A_236, %swap3A_237] {strides = array<i32>} : memref<200x128xf32, #tpu.memory_space<vmem>>, vector<1x16xf32>,
          %swap3A_239 = vector.shape_cast %swap3A_238 : vector<1x16xf32> to vector<16xf32>
          %swap3A_240 = vector.shape_cast %add3A_235 : vector<16xf32> to vector<1x16xf32>
          tpu.vector_store %arg9[%swap3A_236, %swap3A_237], %swap3A_240 {strides = array<i32>} : memref<200x128xf32, #tpu.memory_space<vmem>>, vector<1x16xf32>,
          %get3A_241 = arith.index_cast %scan3A_171 : i32 to index
          %get3A_242 = arith.constant 112 : index
          %get3A_243 = tpu.vector_load %arg7[%get3A_241, %get3A_242] {strides = array<i32>} : memref<200x128xf32, #tpu.memory_space<vmem>>, vector<1x16xf32>,
          %get3A_244 = vector.shape_cast %get3A_243 : vector<1x16xf32> to vector<16xf32>
          %add3A_245 = arith.addf %get3A_244, %get3A_164 : vector<16xf32>
          %swap3A_246 = arith.index_cast %scan3A_171 : i32 to index
          %swap3A_247 = arith.constant 112 : index
          %swap3A_248 = tpu.vector_load %arg9[%swap3A_246, %swap3A_247] {strides = array<i32>} : memref<200x128xf32, #tpu.memory_space<vmem>>, vector<1x16xf32>,
          %swap3A_249 = vector.shape_cast %swap3A_248 : vector<1x16xf32> to vector<16xf32>
          %swap3A_250 = vector.shape_cast %add3A_245 : vector<16xf32> to vector<1x16xf32>
          tpu.vector_store %arg9[%swap3A_246, %swap3A_247], %swap3A_250 {strides = array<i32>} : memref<200x128xf32, #tpu.memory_space<vmem>>, vector<1x16xf32>,
        }
        %scan3A_170 = arith.constant 200 : i32
      } else {
        %scan3A_133 = arith.constant 0 : i32
        %scan3A_134 = arith.constant 0 : i32
        %scan3A_135 = arith.constant 200 : i32
        %scan3A_136 = arith.addi %scan3A_134, %scan3A_135 : i32
        %scan3A_137 = arith.constant 1 : i32
        scf.for %scan3A_139 = %scan3A_134 to %scan3A_136 step %scan3A_137  : i32 {
          %get3A_140 = arith.index_cast %scan3A_139 : i32 to index
          %get3A_141 = tpu.vector_load %arg11[%get3A_140] {strides = array<i32>} : memref<216xi32, #tpu.memory_space<vmem>>, vector<16xi32>,
          %get3A_142 = vector.shape_cast %get3A_141 : vector<16xi32> to vector<16xi32>
          %slice3A_143 = vector.extract_strided_slice %get3A_142 {offsets = [0], sizes = [1], strides = [1]} : vector<16xi32> to vector<1xi32>
          %squeeze3A_144 = vector.extract %slice3A_143[0] : i32 from vector<1xi32>
          %get3A_145 = arith.index_cast %scan3A_139 : i32 to index
          %get3A_146 = arith.constant 0 : index
          %get3A_147 = tpu.vector_load %arg7[%get3A_145, %get3A_146] {strides = array<i32>} : memref<200x128xf32, #tpu.memory_space<vmem>>, vector<1x16xf32>,
          %get3A_148 = vector.shape_cast %get3A_147 : vector<1x16xf32> to vector<16xf32>
          %get3A_149 = arith.index_cast %squeeze3A_144 : i32 to index
          %get3A_150 = arith.constant 0 : index
          %get3A_151 = tpu.vector_load %arg6[%get3A_149, %get3A_150] {strides = array<i32>} : memref<16x128xf32, #tpu.memory_space<vmem>>, vector<1x16xf32>,
          %get3A_152 = vector.shape_cast %get3A_151 : vector<1x16xf32> to vector<16xf32>
          %add3A_153 = arith.addf %get3A_148, %get3A_152 : vector<16xf32>
          %swap3A = arith.index_cast %scan3A_139 : i32 to index
          %swap3A_154 = arith.constant 0 : index
          %swap3A_155 = tpu.vector_load %arg9[%swap3A, %swap3A_154] {strides = array<i32>} : memref<200x128xf32, #tpu.memory_space<vmem>>, vector<1x16xf32>,
          %swap3A_156 = vector.shape_cast %swap3A_155 : vector<1x16xf32> to vector<16xf32>
          %swap3A_157 = vector.shape_cast %add3A_153 : vector<16xf32> to vector<1x16xf32>
          tpu.vector_store %arg9[%swap3A, %swap3A_154], %swap3A_157 {strides = array<i32>} : memref<200x128xf32, #tpu.memory_space<vmem>>, vector<1x16xf32>,
          %get3A_158 = arith.index_cast %scan3A_139 : i32 to index
          %get3A_159 = arith.constant 16 : index
          %get3A_160 = tpu.vector_load %arg7[%get3A_158, %get3A_159] {strides = array<i32>} : memref<200x128xf32, #tpu.memory_space<vmem>>, vector<1x16xf32>,
          %get3A_161 = vector.shape_cast %get3A_160 : vector<1x16xf32> to vector<16xf32>
          %get3A_162 = arith.index_cast %squeeze3A_144 : i32 to index
          %get3A_163 = arith.constant 16 : index
          %get3A_164 = tpu.vector_load %arg6[%get3A_162, %get3A_163] {strides = array<i32>} : memref<16x128xf32, #tpu.memory_space<vmem>>, vector<1x16xf32>,
          %get3A_165 = vector.shape_cast %get3A_164 : vector<1x16xf32> to vector<16xf32>
          %add3A_166 = arith.addf %get3A_161, %get3A_165 : vector<16xf32>
          %swap3A_167 = arith.index_cast %scan3A_139 : i32 to index
          %swap3A_168 = arith.constant 16 : index
          %swap3A_169 = tpu.vector_load %arg9[%swap3A_167, %swap3A_168] {strides = array<i32>} : memref<200x128xf32, #tpu.memory_space<vmem>>, vector<1x16xf32>,
          %swap3A_170 = vector.shape_cast %swap3A_169 : vector<1x16xf32> to vector<16xf32>
          %swap3A_171 = vector.shape_cast %add3A_166 : vector<16xf32> to vector<1x16xf32>
          tpu.vector_store %arg9[%swap3A_167, %swap3A_168], %swap3A_171 {strides = array<i32>} : memref<200x128xf32, #tpu.memory_space<vmem>>, vector<1x16xf32>,
          %get3A_172 = arith.index_cast %scan3A_139 : i32 to index
          %get3A_173 = arith.constant 32 : index
          %get3A_174 = tpu.vector_load %arg7[%get3A_172, %get3A_173] {strides = array<i32>} : memref<200x128xf32, #tpu.memory_space<vmem>>, vector<1x16xf32>,
          %get3A_175 = vector.shape_cast %get3A_174 : vector<1x16xf32> to vector<16xf32>
          %get3A_176 = arith.index_cast %squeeze3A_144 : i32 to index
          %get3A_177 = arith.constant 32 : index
          %get3A_178 = tpu.vector_load %arg6[%get3A_176, %get3A_177] {strides = array<i32>} : memref<16x128xf32, #tpu.memory_space<vmem>>, vector<1x16xf32>,
          %get3A_179 = vector.shape_cast %get3A_178 : vector<1x16xf32> to vector<16xf32>
          %add3A_180 = arith.addf %get3A_175, %get3A_179 : vector<16xf32>
          %swap3A_181 = arith.index_cast %scan3A_139 : i32 to index
          %swap3A_182 = arith.constant 32 : index
          %swap3A_183 = tpu.vector_load %arg9[%swap3A_181, %swap3A_182] {strides = array<i32>} : memref<200x128xf32, #tpu.memory_space<vmem>>, vector<1x16xf32>,
          %swap3A_184 = vector.shape_cast %swap3A_183 : vector<1x16xf32> to vector<16xf32>
          %swap3A_185 = vector.shape_cast %add3A_180 : vector<16xf32> to vector<1x16xf32>
          tpu.vector_store %arg9[%swap3A_181, %swap3A_182], %swap3A_185 {strides = array<i32>} : memref<200x128xf32, #tpu.memory_space<vmem>>, vector<1x16xf32>,
          %get3A_186 = arith.index_cast %scan3A_139 : i32 to index
          %get3A_187 = arith.constant 48 : index
          %get3A_188 = tpu.vector_load %arg7[%get3A_186, %get3A_187] {strides = array<i32>} : memref<200x128xf32, #tpu.memory_space<vmem>>, vector<1x16xf32>,
          %get3A_189 = vector.shape_cast %get3A_188 : vector<1x16xf32> to vector<16xf32>
          %get3A_190 = arith.index_cast %squeeze3A_144 : i32 to index
          %get3A_191 = arith.constant 48 : index
          %get3A_192 = tpu.vector_load %arg6[%get3A_190, %get3A_191] {strides = array<i32>} : memref<16x128xf32, #tpu.memory_space<vmem>>, vector<1x16xf32>,
          %get3A_193 = vector.shape_cast %get3A_192 : vector<1x16xf32> to vector<16xf32>
          %add3A_194 = arith.addf %get3A_189, %get3A_193 : vector<16xf32>
          %swap3A_195 = arith.index_cast %scan3A_139 : i32 to index
          %swap3A_196 = arith.constant 48 : index
          %swap3A_197 = tpu.vector_load %arg9[%swap3A_195, %swap3A_196] {strides = array<i32>} : memref<200x128xf32, #tpu.memory_space<vmem>>, vector<1x16xf32>,
          %swap3A_198 = vector.shape_cast %swap3A_197 : vector<1x16xf32> to vector<16xf32>
          %swap3A_199 = vector.shape_cast %add3A_194 : vector<16xf32> to vector<1x16xf32>
          tpu.vector_store %arg9[%swap3A_195, %swap3A_196], %swap3A_199 {strides = array<i32>} : memref<200x128xf32, #tpu.memory_space<vmem>>, vector<1x16xf32>,
          %get3A_200 = arith.index_cast %scan3A_139 : i32 to index
          %get3A_201 = arith.constant 64 : index
          %get3A_202 = tpu.vector_load %arg7[%get3A_200, %get3A_201] {strides = array<i32>} : memref<200x128xf32, #tpu.memory_space<vmem>>, vector<1x16xf32>,
          %get3A_203 = vector.shape_cast %get3A_202 : vector<1x16xf32> to vector<16xf32>
          %get3A_204 = arith.index_cast %squeeze3A_144 : i32 to index
          %get3A_205 = arith.constant 64 : index
          %get3A_206 = tpu.vector_load %arg6[%get3A_204, %get3A_205] {strides = array<i32>} : memref<16x128xf32, #tpu.memory_space<vmem>>, vector<1x16xf32>,
          %get3A_207 = vector.shape_cast %get3A_206 : vector<1x16xf32> to vector<16xf32>
          %add3A_208 = arith.addf %get3A_203, %get3A_207 : vector<16xf32>
          %swap3A_209 = arith.index_cast %scan3A_139 : i32 to index
          %swap3A_210 = arith.constant 64 : index
          %swap3A_211 = tpu.vector_load %arg9[%swap3A_209, %swap3A_210] {strides = array<i32>} : memref<200x128xf32, #tpu.memory_space<vmem>>, vector<1x16xf32>,
          %swap3A_212 = vector.shape_cast %swap3A_211 : vector<1x16xf32> to vector<16xf32>
          %swap3A_213 = vector.shape_cast %add3A_208 : vector<16xf32> to vector<1x16xf32>
          tpu.vector_store %arg9[%swap3A_209, %swap3A_210], %swap3A_213 {strides = array<i32>} : memref<200x128xf32, #tpu.memory_space<vmem>>, vector<1x16xf32>,
          %get3A_214 = arith.index_cast %scan3A_139 : i32 to index
          %get3A_215 = arith.constant 80 : index
          %get3A_216 = tpu.vector_load %arg7[%get3A_214, %get3A_215] {strides = array<i32>} : memref<200x128xf32, #tpu.memory_space<vmem>>, vector<1x16xf32>,
          %get3A_217 = vector.shape_cast %get3A_216 : vector<1x16xf32> to vector<16xf32>
          %get3A_218 = arith.index_cast %squeeze3A_144 : i32 to index
          %get3A_219 = arith.constant 80 : index
          %get3A_220 = tpu.vector_load %arg6[%get3A_218, %get3A_219] {strides = array<i32>} : memref<16x128xf32, #tpu.memory_space<vmem>>, vector<1x16xf32>,
          %get3A_221 = vector.shape_cast %get3A_220 : vector<1x16xf32> to vector<16xf32>
          %add3A_222 = arith.addf %get3A_217, %get3A_221 : vector<16xf32>
          %swap3A_223 = arith.index_cast %scan3A_139 : i32 to index
          %swap3A_224 = arith.constant 80 : index
          %swap3A_225 = tpu.vector_load %arg9[%swap3A_223, %swap3A_224] {strides = array<i32>} : memref<200x128xf32, #tpu.memory_space<vmem>>, vector<1x16xf32>,
          %swap3A_226 = vector.shape_cast %swap3A_225 : vector<1x16xf32> to vector<16xf32>
          %swap3A_227 = vector.shape_cast %add3A_222 : vector<16xf32> to vector<1x16xf32>
          tpu.vector_store %arg9[%swap3A_223, %swap3A_224], %swap3A_227 {strides = array<i32>} : memref<200x128xf32, #tpu.memory_space<vmem>>, vector<1x16xf32>,
          %get3A_228 = arith.index_cast %scan3A_139 : i32 to index
          %get3A_229 = arith.constant 96 : index
          %get3A_230 = tpu.vector_load %arg7[%get3A_228, %get3A_229] {strides = array<i32>} : memref<200x128xf32, #tpu.memory_space<vmem>>, vector<1x16xf32>,
          %get3A_231 = vector.shape_cast %get3A_230 : vector<1x16xf32> to vector<16xf32>
          %get3A_232 = arith.index_cast %squeeze3A_144 : i32 to index
          %get3A_233 = arith.constant 96 : index
          %get3A_234 = tpu.vector_load %arg6[%get3A_232, %get3A_233] {strides = array<i32>} : memref<16x128xf32, #tpu.memory_space<vmem>>, vector<1x16xf32>,
          %get3A_235 = vector.shape_cast %get3A_234 : vector<1x16xf32> to vector<16xf32>
          %add3A_236 = arith.addf %get3A_231, %get3A_235 : vector<16xf32>
          %swap3A_237 = arith.index_cast %scan3A_139 : i32 to index
          %swap3A_238 = arith.constant 96 : index
          %swap3A_239 = tpu.vector_load %arg9[%swap3A_237, %swap3A_238] {strides = array<i32>} : memref<200x128xf32, #tpu.memory_space<vmem>>, vector<1x16xf32>,
          %swap3A_240 = vector.shape_cast %swap3A_239 : vector<1x16xf32> to vector<16xf32>
          %swap3A_241 = vector.shape_cast %add3A_236 : vector<16xf32> to vector<1x16xf32>
          tpu.vector_store %arg9[%swap3A_237, %swap3A_238], %swap3A_241 {strides = array<i32>} : memref<200x128xf32, #tpu.memory_space<vmem>>, vector<1x16xf32>,
          %get3A_242 = arith.index_cast %scan3A_139 : i32 to index
          %get3A_243 = arith.constant 112 : index
          %get3A_244 = tpu.vector_load %arg7[%get3A_242, %get3A_243] {strides = array<i32>} : memref<200x128xf32, #tpu.memory_space<vmem>>, vector<1x16xf32>,
          %get3A_245 = vector.shape_cast %get3A_244 : vector<1x16xf32> to vector<16xf32>
          %get3A_246 = arith.index_cast %squeeze3A_144 : i32 to index
          %get3A_247 = arith.constant 112 : index
          %get3A_248 = tpu.vector_load %arg6[%get3A_246, %get3A_247] {strides = array<i32>} : memref<16x128xf32, #tpu.memory_space<vmem>>, vector<1x16xf32>,
          %get3A_249 = vector.shape_cast %get3A_248 : vector<1x16xf32> to vector<16xf32>
          %add3A_250 = arith.addf %get3A_245, %get3A_249 : vector<16xf32>
          %swap3A_251 = arith.index_cast %scan3A_139 : i32 to index
          %swap3A_252 = arith.constant 112 : index
          %swap3A_253 = tpu.vector_load %arg9[%swap3A_251, %swap3A_252] {strides = array<i32>} : memref<200x128xf32, #tpu.memory_space<vmem>>, vector<1x16xf32>,
          %swap3A_254 = vector.shape_cast %swap3A_253 : vector<1x16xf32> to vector<16xf32>
          %swap3A_255 = vector.shape_cast %add3A_250 : vector<16xf32> to vector<1x16xf32>
          tpu.vector_store %arg9[%swap3A_251, %swap3A_252], %swap3A_255 {strides = array<i32>} : memref<200x128xf32, #tpu.memory_space<vmem>>, vector<1x16xf32>,
        }
        %scan3A_138 = arith.constant 200 : i32
      }
      %mul3A_73 = arith.constant 200 : i32
      %mul3A_74 = arith.muli %add3A_46, %mul3A_73 : i32
      %add3A_75 = arith.addi %mul3A_2, %mul3A_74 : i32
      %dma_start3A_76 = arith.constant 0 : i32
      %dma_start3A_77 = tpu.memref_slice %arg5[%add3A_75, %dma_start3A_76] : memref<320000x128xf32, #tpu.memory_space<hbm>> -> memref<200x128xf32, #tpu.memory_space<hbm>>
      %dma_start3A_78 = arith.constant 0 : i32
      %dma_start3A_79 = tpu.memref_slice %arg5[%add3A_75, %dma_start3A_78] : memref<320000x128xf32, #tpu.memory_space<hbm>> -> memref<200x128xf32, #tpu.memory_space<hbm>>
      tpu.enqueue_dma source(%arg9 : memref<200x128xf32, #tpu.memory_space<vmem>>) target(%dma_start3A_79 : memref<200x128xf32, #tpu.memory_space<hbm>>) target_semaphore(%arg15 : memref<!tpu.dma_semaphore, #tpu.memory_space<semaphore_mem>>)
      %lt3A = arith.constant 24 : i32
      %lt3A_80 = arith.cmpi slt, %scan3A_42, %lt3A : i32
      %convert_element_type3A_81 = arith.extui %lt3A_80 : i1 to i32
      %cond3A_82 = arith.constant 0 : i32
      %cond3A_83 = arith.cmpi ne, %convert_element_type3A_81, %cond3A_82 : i32
      scf.if %cond3A_83 {
        %add3A_133 = arith.constant 2 : i32
        %add3A_134 = arith.addi %add3A_46, %add3A_133 : i32
        %mul3A_135 = arith.constant 200 : i32
        %mul3A_136 = arith.muli %add3A_134, %mul3A_135 : i32
        %add3A_137 = arith.addi %mul3A_2, %mul3A_136 : i32
        %dma_start3A_138 = arith.constant 0 : i32
        %dma_start3A_139 = tpu.memref_slice %arg11[%dma_start3A_138] : memref<216xi32, #tpu.memory_space<vmem>> -> memref<200xi32, #tpu.memory_space<vmem>>
        %dma_start3A_140 = tpu.memref_slice %arg4[%add3A_137] : memref<320000xi32, #tpu.memory_space<hbm>> -> memref<200xi32, #tpu.memory_space<hbm>>
        %dma_start3A_141 = arith.constant 0 : i32
        %dma_start3A_142 = tpu.memref_slice %arg11[%dma_start3A_141] : memref<216xi32, #tpu.memory_space<vmem>> -> memref<200xi32, #tpu.memory_space<vmem>>
        %dma_start3A_143 = tpu.memref_slice %arg4[%add3A_137] : memref<320000xi32, #tpu.memory_space<hbm>> -> memref<200xi32, #tpu.memory_space<hbm>>
        tpu.enqueue_dma source(%dma_start3A_143 : memref<200xi32, #tpu.memory_space<hbm>>) target(%dma_start3A_142 : memref<200xi32, #tpu.memory_space<vmem>>) target_semaphore(%arg13 : memref<!tpu.dma_semaphore, #tpu.memory_space<semaphore_mem>>)
        %dma_start3A_144 = arith.constant 0 : i32
        %dma_start3A_145 = tpu.memref_slice %arg2[%add3A_137, %dma_start3A_144] : memref<320000x128xf32, #tpu.memory_space<hbm>> -> memref<200x128xf32, #tpu.memory_space<hbm>>
        %dma_start3A_146 = arith.constant 0 : i32
        %dma_start3A_147 = tpu.memref_slice %arg2[%add3A_137, %dma_start3A_146] : memref<320000x128xf32, #tpu.memory_space<hbm>> -> memref<200x128xf32, #tpu.memory_space<hbm>>
        tpu.enqueue_dma source(%dma_start3A_147 : memref<200x128xf32, #tpu.memory_space<hbm>>) target(%arg7 : memref<200x128xf32, #tpu.memory_space<vmem>>) target_semaphore(%arg13 : memref<!tpu.dma_semaphore, #tpu.memory_space<semaphore_mem>>)
      } else {
      }
      %mul3A_84 = arith.constant 2 : i32
      %mul3A_85 = arith.muli %scan3A_42, %mul3A_84 : i32
      %add3A_86 = arith.constant 1 : i32
      %add3A_87 = arith.addi %mul3A_85, %add3A_86 : i32
      %dma_wait3A_88 = arith.constant 0 : i32
      %dma_wait3A_89 = tpu.memref_slice %arg12[%dma_wait3A_88] : memref<216xi32, #tpu.memory_space<vmem>> -> memref<200xi32, #tpu.memory_space<vmem>>
      %dma_wait3A_90 = arith.constant 0 : i32
      %dma_wait3A_91 = tpu.memref_slice %arg4[%dma_wait3A_90] : memref<320000xi32, #tpu.memory_space<hbm>> -> memref<200xi32, #tpu.memory_space<hbm>>
      %dma_wait3A_92 = arith.constant 0 : i32
      %dma_wait3A_93 = tpu.memref_slice %arg12[%dma_wait3A_92] : memref<216xi32, #tpu.memory_space<vmem>> -> memref<200xi32, #tpu.memory_space<vmem>>
      %dma_wait3A_94 = arith.constant 0 : i32
      %dma_wait3A_95 = tpu.memref_slice %arg4[%dma_wait3A_94] : memref<320000xi32, #tpu.memory_space<hbm>> -> memref<200xi32, #tpu.memory_space<hbm>>
      tpu.wait_dma2 semaphore(%arg14 : memref<!tpu.dma_semaphore, #tpu.memory_space<semaphore_mem>>) src(%dma_wait3A_95 : memref<200xi32, #tpu.memory_space<hbm>>) dst(%dma_wait3A_93 : memref<200xi32, #tpu.memory_space<vmem>>)
      %dma_wait3A_96 = arith.constant 0 : i32
      %dma_wait3A_97 = arith.constant 0 : i32
      %dma_wait3A_98 = tpu.memref_slice %arg2[%dma_wait3A_96, %dma_wait3A_97] : memref<320000x128xf32, #tpu.memory_space<hbm>> -> memref<200x128xf32, #tpu.memory_space<hbm>>
      %dma_wait3A_99 = arith.constant 0 : i32
      %dma_wait3A_100 = arith.constant 0 : i32
      %dma_wait3A_101 = tpu.memref_slice %arg2[%dma_wait3A_99, %dma_wait3A_100] : memref<320000x128xf32, #tpu.memory_space<hbm>> -> memref<200x128xf32, #tpu.memory_space<hbm>>
      tpu.wait_dma2 semaphore(%arg14 : memref<!tpu.dma_semaphore, #tpu.memory_space<semaphore_mem>>) src(%dma_wait3A_101 : memref<200x128xf32, #tpu.memory_space<hbm>>) dst(%arg8 : memref<200x128xf32, #tpu.memory_space<vmem>>)
      %ge3A_102 = arith.constant 1 : i32
      %ge3A_103 = arith.cmpi sge, %scan3A_42, %ge3A_102 : i32
      %convert_element_type3A_104 = arith.extui %ge3A_103 : i1 to i32
      %cond3A_105 = arith.constant 0 : i32
      %cond3A_106 = arith.cmpi ne, %convert_element_type3A_104, %cond3A_105 : i32
      scf.if %cond3A_106 {
        %dma_wait3A_133 = arith.constant 0 : i32
        %dma_wait3A_134 = arith.constant 0 : i32
        %dma_wait3A_135 = tpu.memref_slice %arg5[%dma_wait3A_133, %dma_wait3A_134] : memref<320000x128xf32, #tpu.memory_space<hbm>> -> memref<200x128xf32, #tpu.memory_space<hbm>>
        %dma_wait3A_136 = arith.constant 0 : i32
        %dma_wait3A_137 = arith.constant 0 : i32
        %dma_wait3A_138 = tpu.memref_slice %arg5[%dma_wait3A_136, %dma_wait3A_137] : memref<320000x128xf32, #tpu.memory_space<hbm>> -> memref<200x128xf32, #tpu.memory_space<hbm>>
        tpu.wait_dma2 semaphore(%arg16 : memref<!tpu.dma_semaphore, #tpu.memory_space<semaphore_mem>>) src(%dma_wait3A_138 : memref<200x128xf32, #tpu.memory_space<hbm>>) dst(%arg10 : memref<200x128xf32, #tpu.memory_space<vmem>>)
      } else {
      }
      %get3A_107 = arith.constant 0 : index
      %get3A_108 = tpu.vector_load %arg12[%get3A_107] {strides = array<i32>} : memref<216xi32, #tpu.memory_space<vmem>>, vector<16xi32>,
      %get3A_109 = vector.shape_cast %get3A_108 : vector<16xi32> to vector<16xi32>
      %slice3A_110 = vector.extract_strided_slice %get3A_109 {offsets = [0], sizes = [1], strides = [1]} : vector<16xi32> to vector<1xi32>
      %squeeze3A_111 = vector.extract %slice3A_110[0] : i32 from vector<1xi32>
      %get3A_112 = arith.constant 184 : index
      %get3A_113 = tpu.vector_load %arg12[%get3A_112] {strides = array<i32>} : memref<216xi32, #tpu.memory_space<vmem>>, vector<16xi32>,
      %get3A_114 = vector.shape_cast %get3A_113 : vector<16xi32> to vector<16xi32>
      %slice3A_115 = vector.extract_strided_slice %get3A_114 {offsets = [15], sizes = [1], strides = [1]} : vector<16xi32> to vector<1xi32>
      %squeeze3A_116 = vector.extract %slice3A_115[0] : i32 from vector<1xi32>
      %eq3A_117 = arith.cmpi eq, %squeeze3A_111, %squeeze3A_116 : i32
      %convert_element_type3A_118 = arith.extui %eq3A_117 : i1 to i32
      %cond3A_119 = arith.constant 0 : i32
      %cond3A_120 = arith.cmpi ne, %convert_element_type3A_118, %cond3A_119 : i32
      scf.if %cond3A_120 {
        %get3A_133 = arith.index_cast %squeeze3A_111 : i32 to index
        %get3A_134 = arith.constant 0 : index
        %get3A_135 = tpu.vector_load %arg6[%get3A_133, %get3A_134] {strides = array<i32>} : memref<16x128xf32, #tpu.memory_space<vmem>>, vector<1x16xf32>,
        %get3A_136 = vector.shape_cast %get3A_135 : vector<1x16xf32> to vector<16xf32>
        %get3A_137 = arith.index_cast %squeeze3A_111 : i32 to index
        %get3A_138 = arith.constant 16 : index
        %get3A_139 = tpu.vector_load %arg6[%get3A_137, %get3A_138] {strides = array<i32>} : memref<16x128xf32, #tpu.memory_space<vmem>>, vector<1x16xf32>,
        %get3A_140 = vector.shape_cast %get3A_139 : vector<1x16xf32> to vector<16xf32>
        %get3A_141 = arith.index_cast %squeeze3A_111 : i32 to index
        %get3A_142 = arith.constant 32 : index
        %get3A_143 = tpu.vector_load %arg6[%get3A_141, %get3A_142] {strides = array<i32>} : memref<16x128xf32, #tpu.memory_space<vmem>>, vector<1x16xf32>,
        %get3A_144 = vector.shape_cast %get3A_143 : vector<1x16xf32> to vector<16xf32>
        %get3A_145 = arith.index_cast %squeeze3A_111 : i32 to index
        %get3A_146 = arith.constant 48 : index
        %get3A_147 = tpu.vector_load %arg6[%get3A_145, %get3A_146] {strides = array<i32>} : memref<16x128xf32, #tpu.memory_space<vmem>>, vector<1x16xf32>,
        %get3A_148 = vector.shape_cast %get3A_147 : vector<1x16xf32> to vector<16xf32>
        %get3A_149 = arith.index_cast %squeeze3A_111 : i32 to index
        %get3A_150 = arith.constant 64 : index
        %get3A_151 = tpu.vector_load %arg6[%get3A_149, %get3A_150] {strides = array<i32>} : memref<16x128xf32, #tpu.memory_space<vmem>>, vector<1x16xf32>,
        %get3A_152 = vector.shape_cast %get3A_151 : vector<1x16xf32> to vector<16xf32>
        %get3A_153 = arith.index_cast %squeeze3A_111 : i32 to index
        %get3A_154 = arith.constant 80 : index
        %get3A_155 = tpu.vector_load %arg6[%get3A_153, %get3A_154] {strides = array<i32>} : memref<16x128xf32, #tpu.memory_space<vmem>>, vector<1x16xf32>,
        %get3A_156 = vector.shape_cast %get3A_155 : vector<1x16xf32> to vector<16xf32>
        %get3A_157 = arith.index_cast %squeeze3A_111 : i32 to index
        %get3A_158 = arith.constant 96 : index
        %get3A_159 = tpu.vector_load %arg6[%get3A_157, %get3A_158] {strides = array<i32>} : memref<16x128xf32, #tpu.memory_space<vmem>>, vector<1x16xf32>,
        %get3A_160 = vector.shape_cast %get3A_159 : vector<1x16xf32> to vector<16xf32>
        %get3A_161 = arith.index_cast %squeeze3A_111 : i32 to index
        %get3A_162 = arith.constant 112 : index
        %get3A_163 = tpu.vector_load %arg6[%get3A_161, %get3A_162] {strides = array<i32>} : memref<16x128xf32, #tpu.memory_space<vmem>>, vector<1x16xf32>,
        %get3A_164 = vector.shape_cast %get3A_163 : vector<1x16xf32> to vector<16xf32>
        %scan3A_165 = arith.constant 0 : i32
        %scan3A_166 = arith.constant 0 : i32
        %scan3A_167 = arith.constant 200 : i32
        %scan3A_168 = arith.addi %scan3A_166, %scan3A_167 : i32
        %scan3A_169 = arith.constant 1 : i32
        scf.for %scan3A_171 = %scan3A_166 to %scan3A_168 step %scan3A_169  : i32 {
          %get3A_172 = arith.index_cast %scan3A_171 : i32 to index
          %get3A_173 = arith.constant 0 : index
          %get3A_174 = tpu.vector_load %arg8[%get3A_172, %get3A_173] {strides = array<i32>} : memref<200x128xf32, #tpu.memory_space<vmem>>, vector<1x16xf32>,
          %get3A_175 = vector.shape_cast %get3A_174 : vector<1x16xf32> to vector<16xf32>
          %add3A_176 = arith.addf %get3A_175, %get3A_136 : vector<16xf32>
          %swap3A = arith.index_cast %scan3A_171 : i32 to index
          %swap3A_177 = arith.constant 0 : index
          %swap3A_178 = tpu.vector_load %arg10[%swap3A, %swap3A_177] {strides = array<i32>} : memref<200x128xf32, #tpu.memory_space<vmem>>, vector<1x16xf32>,
          %swap3A_179 = vector.shape_cast %swap3A_178 : vector<1x16xf32> to vector<16xf32>
          %swap3A_180 = vector.shape_cast %add3A_176 : vector<16xf32> to vector<1x16xf32>
          tpu.vector_store %arg10[%swap3A, %swap3A_177], %swap3A_180 {strides = array<i32>} : memref<200x128xf32, #tpu.memory_space<vmem>>, vector<1x16xf32>,
          %get3A_181 = arith.index_cast %scan3A_171 : i32 to index
          %get3A_182 = arith.constant 16 : index
          %get3A_183 = tpu.vector_load %arg8[%get3A_181, %get3A_182] {strides = array<i32>} : memref<200x128xf32, #tpu.memory_space<vmem>>, vector<1x16xf32>,
          %get3A_184 = vector.shape_cast %get3A_183 : vector<1x16xf32> to vector<16xf32>
          %add3A_185 = arith.addf %get3A_184, %get3A_140 : vector<16xf32>
          %swap3A_186 = arith.index_cast %scan3A_171 : i32 to index
          %swap3A_187 = arith.constant 16 : index
          %swap3A_188 = tpu.vector_load %arg10[%swap3A_186, %swap3A_187] {strides = array<i32>} : memref<200x128xf32, #tpu.memory_space<vmem>>, vector<1x16xf32>,
          %swap3A_189 = vector.shape_cast %swap3A_188 : vector<1x16xf32> to vector<16xf32>
          %swap3A_190 = vector.shape_cast %add3A_185 : vector<16xf32> to vector<1x16xf32>
          tpu.vector_store %arg10[%swap3A_186, %swap3A_187], %swap3A_190 {strides = array<i32>} : memref<200x128xf32, #tpu.memory_space<vmem>>, vector<1x16xf32>,
          %get3A_191 = arith.index_cast %scan3A_171 : i32 to index
          %get3A_192 = arith.constant 32 : index
          %get3A_193 = tpu.vector_load %arg8[%get3A_191, %get3A_192] {strides = array<i32>} : memref<200x128xf32, #tpu.memory_space<vmem>>, vector<1x16xf32>,
          %get3A_194 = vector.shape_cast %get3A_193 : vector<1x16xf32> to vector<16xf32>
          %add3A_195 = arith.addf %get3A_194, %get3A_144 : vector<16xf32>
          %swap3A_196 = arith.index_cast %scan3A_171 : i32 to index
          %swap3A_197 = arith.constant 32 : index
          %swap3A_198 = tpu.vector_load %arg10[%swap3A_196, %swap3A_197] {strides = array<i32>} : memref<200x128xf32, #tpu.memory_space<vmem>>, vector<1x16xf32>,
          %swap3A_199 = vector.shape_cast %swap3A_198 : vector<1x16xf32> to vector<16xf32>
          %swap3A_200 = vector.shape_cast %add3A_195 : vector<16xf32> to vector<1x16xf32>
          tpu.vector_store %arg10[%swap3A_196, %swap3A_197], %swap3A_200 {strides = array<i32>} : memref<200x128xf32, #tpu.memory_space<vmem>>, vector<1x16xf32>,
          %get3A_201 = arith.index_cast %scan3A_171 : i32 to index
          %get3A_202 = arith.constant 48 : index
          %get3A_203 = tpu.vector_load %arg8[%get3A_201, %get3A_202] {strides = array<i32>} : memref<200x128xf32, #tpu.memory_space<vmem>>, vector<1x16xf32>,
          %get3A_204 = vector.shape_cast %get3A_203 : vector<1x16xf32> to vector<16xf32>
          %add3A_205 = arith.addf %get3A_204, %get3A_148 : vector<16xf32>
          %swap3A_206 = arith.index_cast %scan3A_171 : i32 to index
          %swap3A_207 = arith.constant 48 : index
          %swap3A_208 = tpu.vector_load %arg10[%swap3A_206, %swap3A_207] {strides = array<i32>} : memref<200x128xf32, #tpu.memory_space<vmem>>, vector<1x16xf32>,
          %swap3A_209 = vector.shape_cast %swap3A_208 : vector<1x16xf32> to vector<16xf32>
          %swap3A_210 = vector.shape_cast %add3A_205 : vector<16xf32> to vector<1x16xf32>
          tpu.vector_store %arg10[%swap3A_206, %swap3A_207], %swap3A_210 {strides = array<i32>} : memref<200x128xf32, #tpu.memory_space<vmem>>, vector<1x16xf32>,
          %get3A_211 = arith.index_cast %scan3A_171 : i32 to index
          %get3A_212 = arith.constant 64 : index
          %get3A_213 = tpu.vector_load %arg8[%get3A_211, %get3A_212] {strides = array<i32>} : memref<200x128xf32, #tpu.memory_space<vmem>>, vector<1x16xf32>,
          %get3A_214 = vector.shape_cast %get3A_213 : vector<1x16xf32> to vector<16xf32>
          %add3A_215 = arith.addf %get3A_214, %get3A_152 : vector<16xf32>
          %swap3A_216 = arith.index_cast %scan3A_171 : i32 to index
          %swap3A_217 = arith.constant 64 : index
          %swap3A_218 = tpu.vector_load %arg10[%swap3A_216, %swap3A_217] {strides = array<i32>} : memref<200x128xf32, #tpu.memory_space<vmem>>, vector<1x16xf32>,
          %swap3A_219 = vector.shape_cast %swap3A_218 : vector<1x16xf32> to vector<16xf32>
          %swap3A_220 = vector.shape_cast %add3A_215 : vector<16xf32> to vector<1x16xf32>
          tpu.vector_store %arg10[%swap3A_216, %swap3A_217], %swap3A_220 {strides = array<i32>} : memref<200x128xf32, #tpu.memory_space<vmem>>, vector<1x16xf32>,
          %get3A_221 = arith.index_cast %scan3A_171 : i32 to index
          %get3A_222 = arith.constant 80 : index
          %get3A_223 = tpu.vector_load %arg8[%get3A_221, %get3A_222] {strides = array<i32>} : memref<200x128xf32, #tpu.memory_space<vmem>>, vector<1x16xf32>,
          %get3A_224 = vector.shape_cast %get3A_223 : vector<1x16xf32> to vector<16xf32>
          %add3A_225 = arith.addf %get3A_224, %get3A_156 : vector<16xf32>
          %swap3A_226 = arith.index_cast %scan3A_171 : i32 to index
          %swap3A_227 = arith.constant 80 : index
          %swap3A_228 = tpu.vector_load %arg10[%swap3A_226, %swap3A_227] {strides = array<i32>} : memref<200x128xf32, #tpu.memory_space<vmem>>, vector<1x16xf32>,
          %swap3A_229 = vector.shape_cast %swap3A_228 : vector<1x16xf32> to vector<16xf32>
          %swap3A_230 = vector.shape_cast %add3A_225 : vector<16xf32> to vector<1x16xf32>
          tpu.vector_store %arg10[%swap3A_226, %swap3A_227], %swap3A_230 {strides = array<i32>} : memref<200x128xf32, #tpu.memory_space<vmem>>, vector<1x16xf32>,
          %get3A_231 = arith.index_cast %scan3A_171 : i32 to index
          %get3A_232 = arith.constant 96 : index
          %get3A_233 = tpu.vector_load %arg8[%get3A_231, %get3A_232] {strides = array<i32>} : memref<200x128xf32, #tpu.memory_space<vmem>>, vector<1x16xf32>,
          %get3A_234 = vector.shape_cast %get3A_233 : vector<1x16xf32> to vector<16xf32>
          %add3A_235 = arith.addf %get3A_234, %get3A_160 : vector<16xf32>
          %swap3A_236 = arith.index_cast %scan3A_171 : i32 to index
          %swap3A_237 = arith.constant 96 : index
          %swap3A_238 = tpu.vector_load %arg10[%swap3A_236, %swap3A_237] {strides = array<i32>} : memref<200x128xf32, #tpu.memory_space<vmem>>, vector<1x16xf32>,
          %swap3A_239 = vector.shape_cast %swap3A_238 : vector<1x16xf32> to vector<16xf32>
          %swap3A_240 = vector.shape_cast %add3A_235 : vector<16xf32> to vector<1x16xf32>
          tpu.vector_store %arg10[%swap3A_236, %swap3A_237], %swap3A_240 {strides = array<i32>} : memref<200x128xf32, #tpu.memory_space<vmem>>, vector<1x16xf32>,
          %get3A_241 = arith.index_cast %scan3A_171 : i32 to index
          %get3A_242 = arith.constant 112 : index
          %get3A_243 = tpu.vector_load %arg8[%get3A_241, %get3A_242] {strides = array<i32>} : memref<200x128xf32, #tpu.memory_space<vmem>>, vector<1x16xf32>,
          %get3A_244 = vector.shape_cast %get3A_243 : vector<1x16xf32> to vector<16xf32>
          %add3A_245 = arith.addf %get3A_244, %get3A_164 : vector<16xf32>
          %swap3A_246 = arith.index_cast %scan3A_171 : i32 to index
          %swap3A_247 = arith.constant 112 : index
          %swap3A_248 = tpu.vector_load %arg10[%swap3A_246, %swap3A_247] {strides = array<i32>} : memref<200x128xf32, #tpu.memory_space<vmem>>, vector<1x16xf32>,
          %swap3A_249 = vector.shape_cast %swap3A_248 : vector<1x16xf32> to vector<16xf32>
          %swap3A_250 = vector.shape_cast %add3A_245 : vector<16xf32> to vector<1x16xf32>
          tpu.vector_store %arg10[%swap3A_246, %swap3A_247], %swap3A_250 {strides = array<i32>} : memref<200x128xf32, #tpu.memory_space<vmem>>, vector<1x16xf32>,
        }
        %scan3A_170 = arith.constant 200 : i32
      } else {
        %scan3A_133 = arith.constant 0 : i32
        %scan3A_134 = arith.constant 0 : i32
        %scan3A_135 = arith.constant 200 : i32
        %scan3A_136 = arith.addi %scan3A_134, %scan3A_135 : i32
        %scan3A_137 = arith.constant 1 : i32
        scf.for %scan3A_139 = %scan3A_134 to %scan3A_136 step %scan3A_137  : i32 {
          %get3A_140 = arith.index_cast %scan3A_139 : i32 to index
          %get3A_141 = tpu.vector_load %arg12[%get3A_140] {strides = array<i32>} : memref<216xi32, #tpu.memory_space<vmem>>, vector<16xi32>,
          %get3A_142 = vector.shape_cast %get3A_141 : vector<16xi32> to vector<16xi32>
          %slice3A_143 = vector.extract_strided_slice %get3A_142 {offsets = [0], sizes = [1], strides = [1]} : vector<16xi32> to vector<1xi32>
          %squeeze3A_144 = vector.extract %slice3A_143[0] : i32 from vector<1xi32>
          %get3A_145 = arith.index_cast %scan3A_139 : i32 to index
          %get3A_146 = arith.constant 0 : index
          %get3A_147 = tpu.vector_load %arg8[%get3A_145, %get3A_146] {strides = array<i32>} : memref<200x128xf32, #tpu.memory_space<vmem>>, vector<1x16xf32>,
          %get3A_148 = vector.shape_cast %get3A_147 : vector<1x16xf32> to vector<16xf32>
          %get3A_149 = arith.index_cast %squeeze3A_144 : i32 to index
          %get3A_150 = arith.constant 0 : index
          %get3A_151 = tpu.vector_load %arg6[%get3A_149, %get3A_150] {strides = array<i32>} : memref<16x128xf32, #tpu.memory_space<vmem>>, vector<1x16xf32>,
          %get3A_152 = vector.shape_cast %get3A_151 : vector<1x16xf32> to vector<16xf32>
          %add3A_153 = arith.addf %get3A_148, %get3A_152 : vector<16xf32>
          %swap3A = arith.index_cast %scan3A_139 : i32 to index
          %swap3A_154 = arith.constant 0 : index
          %swap3A_155 = tpu.vector_load %arg10[%swap3A, %swap3A_154] {strides = array<i32>} : memref<200x128xf32, #tpu.memory_space<vmem>>, vector<1x16xf32>,
          %swap3A_156 = vector.shape_cast %swap3A_155 : vector<1x16xf32> to vector<16xf32>
          %swap3A_157 = vector.shape_cast %add3A_153 : vector<16xf32> to vector<1x16xf32>
          tpu.vector_store %arg10[%swap3A, %swap3A_154], %swap3A_157 {strides = array<i32>} : memref<200x128xf32, #tpu.memory_space<vmem>>, vector<1x16xf32>,
          %get3A_158 = arith.index_cast %scan3A_139 : i32 to index
          %get3A_159 = arith.constant 16 : index
          %get3A_160 = tpu.vector_load %arg8[%get3A_158, %get3A_159] {strides = array<i32>} : memref<200x128xf32, #tpu.memory_space<vmem>>, vector<1x16xf32>,
          %get3A_161 = vector.shape_cast %get3A_160 : vector<1x16xf32> to vector<16xf32>
          %get3A_162 = arith.index_cast %squeeze3A_144 : i32 to index
          %get3A_163 = arith.constant 16 : index
          %get3A_164 = tpu.vector_load %arg6[%get3A_162, %get3A_163] {strides = array<i32>} : memref<16x128xf32, #tpu.memory_space<vmem>>, vector<1x16xf32>,
          %get3A_165 = vector.shape_cast %get3A_164 : vector<1x16xf32> to vector<16xf32>
          %add3A_166 = arith.addf %get3A_161, %get3A_165 : vector<16xf32>
          %swap3A_167 = arith.index_cast %scan3A_139 : i32 to index
          %swap3A_168 = arith.constant 16 : index
          %swap3A_169 = tpu.vector_load %arg10[%swap3A_167, %swap3A_168] {strides = array<i32>} : memref<200x128xf32, #tpu.memory_space<vmem>>, vector<1x16xf32>,
          %swap3A_170 = vector.shape_cast %swap3A_169 : vector<1x16xf32> to vector<16xf32>
          %swap3A_171 = vector.shape_cast %add3A_166 : vector<16xf32> to vector<1x16xf32>
          tpu.vector_store %arg10[%swap3A_167, %swap3A_168], %swap3A_171 {strides = array<i32>} : memref<200x128xf32, #tpu.memory_space<vmem>>, vector<1x16xf32>,
          %get3A_172 = arith.index_cast %scan3A_139 : i32 to index
          %get3A_173 = arith.constant 32 : index
          %get3A_174 = tpu.vector_load %arg8[%get3A_172, %get3A_173] {strides = array<i32>} : memref<200x128xf32, #tpu.memory_space<vmem>>, vector<1x16xf32>,
          %get3A_175 = vector.shape_cast %get3A_174 : vector<1x16xf32> to vector<16xf32>
          %get3A_176 = arith.index_cast %squeeze3A_144 : i32 to index
          %get3A_177 = arith.constant 32 : index
          %get3A_178 = tpu.vector_load %arg6[%get3A_176, %get3A_177] {strides = array<i32>} : memref<16x128xf32, #tpu.memory_space<vmem>>, vector<1x16xf32>,
          %get3A_179 = vector.shape_cast %get3A_178 : vector<1x16xf32> to vector<16xf32>
          %add3A_180 = arith.addf %get3A_175, %get3A_179 : vector<16xf32>
          %swap3A_181 = arith.index_cast %scan3A_139 : i32 to index
          %swap3A_182 = arith.constant 32 : index
          %swap3A_183 = tpu.vector_load %arg10[%swap3A_181, %swap3A_182] {strides = array<i32>} : memref<200x128xf32, #tpu.memory_space<vmem>>, vector<1x16xf32>,
          %swap3A_184 = vector.shape_cast %swap3A_183 : vector<1x16xf32> to vector<16xf32>
          %swap3A_185 = vector.shape_cast %add3A_180 : vector<16xf32> to vector<1x16xf32>
          tpu.vector_store %arg10[%swap3A_181, %swap3A_182], %swap3A_185 {strides = array<i32>} : memref<200x128xf32, #tpu.memory_space<vmem>>, vector<1x16xf32>,
          %get3A_186 = arith.index_cast %scan3A_139 : i32 to index
          %get3A_187 = arith.constant 48 : index
          %get3A_188 = tpu.vector_load %arg8[%get3A_186, %get3A_187] {strides = array<i32>} : memref<200x128xf32, #tpu.memory_space<vmem>>, vector<1x16xf32>,
          %get3A_189 = vector.shape_cast %get3A_188 : vector<1x16xf32> to vector<16xf32>
          %get3A_190 = arith.index_cast %squeeze3A_144 : i32 to index
          %get3A_191 = arith.constant 48 : index
          %get3A_192 = tpu.vector_load %arg6[%get3A_190, %get3A_191] {strides = array<i32>} : memref<16x128xf32, #tpu.memory_space<vmem>>, vector<1x16xf32>,
          %get3A_193 = vector.shape_cast %get3A_192 : vector<1x16xf32> to vector<16xf32>
          %add3A_194 = arith.addf %get3A_189, %get3A_193 : vector<16xf32>
          %swap3A_195 = arith.index_cast %scan3A_139 : i32 to index
          %swap3A_196 = arith.constant 48 : index
          %swap3A_197 = tpu.vector_load %arg10[%swap3A_195, %swap3A_196] {strides = array<i32>} : memref<200x128xf32, #tpu.memory_space<vmem>>, vector<1x16xf32>,
          %swap3A_198 = vector.shape_cast %swap3A_197 : vector<1x16xf32> to vector<16xf32>
          %swap3A_199 = vector.shape_cast %add3A_194 : vector<16xf32> to vector<1x16xf32>
          tpu.vector_store %arg10[%swap3A_195, %swap3A_196], %swap3A_199 {strides = array<i32>} : memref<200x128xf32, #tpu.memory_space<vmem>>, vector<1x16xf32>,
          %get3A_200 = arith.index_cast %scan3A_139 : i32 to index
          %get3A_201 = arith.constant 64 : index
          %get3A_202 = tpu.vector_load %arg8[%get3A_200, %get3A_201] {strides = array<i32>} : memref<200x128xf32, #tpu.memory_space<vmem>>, vector<1x16xf32>,
          %get3A_203 = vector.shape_cast %get3A_202 : vector<1x16xf32> to vector<16xf32>
          %get3A_204 = arith.index_cast %squeeze3A_144 : i32 to index
          %get3A_205 = arith.constant 64 : index
          %get3A_206 = tpu.vector_load %arg6[%get3A_204, %get3A_205] {strides = array<i32>} : memref<16x128xf32, #tpu.memory_space<vmem>>, vector<1x16xf32>,
          %get3A_207 = vector.shape_cast %get3A_206 : vector<1x16xf32> to vector<16xf32>
          %add3A_208 = arith.addf %get3A_203, %get3A_207 : vector<16xf32>
          %swap3A_209 = arith.index_cast %scan3A_139 : i32 to index
          %swap3A_210 = arith.constant 64 : index
          %swap3A_211 = tpu.vector_load %arg10[%swap3A_209, %swap3A_210] {strides = array<i32>} : memref<200x128xf32, #tpu.memory_space<vmem>>, vector<1x16xf32>,
          %swap3A_212 = vector.shape_cast %swap3A_211 : vector<1x16xf32> to vector<16xf32>
          %swap3A_213 = vector.shape_cast %add3A_208 : vector<16xf32> to vector<1x16xf32>
          tpu.vector_store %arg10[%swap3A_209, %swap3A_210], %swap3A_213 {strides = array<i32>} : memref<200x128xf32, #tpu.memory_space<vmem>>, vector<1x16xf32>,
          %get3A_214 = arith.index_cast %scan3A_139 : i32 to index
          %get3A_215 = arith.constant 80 : index
          %get3A_216 = tpu.vector_load %arg8[%get3A_214, %get3A_215] {strides = array<i32>} : memref<200x128xf32, #tpu.memory_space<vmem>>, vector<1x16xf32>,
          %get3A_217 = vector.shape_cast %get3A_216 : vector<1x16xf32> to vector<16xf32>
          %get3A_218 = arith.index_cast %squeeze3A_144 : i32 to index
          %get3A_219 = arith.constant 80 : index
          %get3A_220 = tpu.vector_load %arg6[%get3A_218, %get3A_219] {strides = array<i32>} : memref<16x128xf32, #tpu.memory_space<vmem>>, vector<1x16xf32>,
          %get3A_221 = vector.shape_cast %get3A_220 : vector<1x16xf32> to vector<16xf32>
          %add3A_222 = arith.addf %get3A_217, %get3A_221 : vector<16xf32>
          %swap3A_223 = arith.index_cast %scan3A_139 : i32 to index
          %swap3A_224 = arith.constant 80 : index
          %swap3A_225 = tpu.vector_load %arg10[%swap3A_223, %swap3A_224] {strides = array<i32>} : memref<200x128xf32, #tpu.memory_space<vmem>>, vector<1x16xf32>,
          %swap3A_226 = vector.shape_cast %swap3A_225 : vector<1x16xf32> to vector<16xf32>
          %swap3A_227 = vector.shape_cast %add3A_222 : vector<16xf32> to vector<1x16xf32>
          tpu.vector_store %arg10[%swap3A_223, %swap3A_224], %swap3A_227 {strides = array<i32>} : memref<200x128xf32, #tpu.memory_space<vmem>>, vector<1x16xf32>,
          %get3A_228 = arith.index_cast %scan3A_139 : i32 to index
          %get3A_229 = arith.constant 96 : index
          %get3A_230 = tpu.vector_load %arg8[%get3A_228, %get3A_229] {strides = array<i32>} : memref<200x128xf32, #tpu.memory_space<vmem>>, vector<1x16xf32>,
          %get3A_231 = vector.shape_cast %get3A_230 : vector<1x16xf32> to vector<16xf32>
          %get3A_232 = arith.index_cast %squeeze3A_144 : i32 to index
          %get3A_233 = arith.constant 96 : index
          %get3A_234 = tpu.vector_load %arg6[%get3A_232, %get3A_233] {strides = array<i32>} : memref<16x128xf32, #tpu.memory_space<vmem>>, vector<1x16xf32>,
          %get3A_235 = vector.shape_cast %get3A_234 : vector<1x16xf32> to vector<16xf32>
          %add3A_236 = arith.addf %get3A_231, %get3A_235 : vector<16xf32>
          %swap3A_237 = arith.index_cast %scan3A_139 : i32 to index
          %swap3A_238 = arith.constant 96 : index
          %swap3A_239 = tpu.vector_load %arg10[%swap3A_237, %swap3A_238] {strides = array<i32>} : memref<200x128xf32, #tpu.memory_space<vmem>>, vector<1x16xf32>,
          %swap3A_240 = vector.shape_cast %swap3A_239 : vector<1x16xf32> to vector<16xf32>
          %swap3A_241 = vector.shape_cast %add3A_236 : vector<16xf32> to vector<1x16xf32>
          tpu.vector_store %arg10[%swap3A_237, %swap3A_238], %swap3A_241 {strides = array<i32>} : memref<200x128xf32, #tpu.memory_space<vmem>>, vector<1x16xf32>,
          %get3A_242 = arith.index_cast %scan3A_139 : i32 to index
          %get3A_243 = arith.constant 112 : index
          %get3A_244 = tpu.vector_load %arg8[%get3A_242, %get3A_243] {strides = array<i32>} : memref<200x128xf32, #tpu.memory_space<vmem>>, vector<1x16xf32>,
          %get3A_245 = vector.shape_cast %get3A_244 : vector<1x16xf32> to vector<16xf32>
          %get3A_246 = arith.index_cast %squeeze3A_144 : i32 to index
          %get3A_247 = arith.constant 112 : index
          %get3A_248 = tpu.vector_load %arg6[%get3A_246, %get3A_247] {strides = array<i32>} : memref<16x128xf32, #tpu.memory_space<vmem>>, vector<1x16xf32>,
          %get3A_249 = vector.shape_cast %get3A_248 : vector<1x16xf32> to vector<16xf32>
          %add3A_250 = arith.addf %get3A_245, %get3A_249 : vector<16xf32>
          %swap3A_251 = arith.index_cast %scan3A_139 : i32 to index
          %swap3A_252 = arith.constant 112 : index
          %swap3A_253 = tpu.vector_load %arg10[%swap3A_251, %swap3A_252] {strides = array<i32>} : memref<200x128xf32, #tpu.memory_space<vmem>>, vector<1x16xf32>,
          %swap3A_254 = vector.shape_cast %swap3A_253 : vector<1x16xf32> to vector<16xf32>
          %swap3A_255 = vector.shape_cast %add3A_250 : vector<16xf32> to vector<1x16xf32>
          tpu.vector_store %arg10[%swap3A_251, %swap3A_252], %swap3A_255 {strides = array<i32>} : memref<200x128xf32, #tpu.memory_space<vmem>>, vector<1x16xf32>,
        }
        %scan3A_138 = arith.constant 200 : i32
      }
      %mul3A_121 = arith.constant 200 : i32
      %mul3A_122 = arith.muli %add3A_87, %mul3A_121 : i32
      %add3A_123 = arith.addi %mul3A_2, %mul3A_122 : i32
      %dma_start3A_124 = arith.constant 0 : i32
      %dma_start3A_125 = tpu.memref_slice %arg5[%add3A_123, %dma_start3A_124] : memref<320000x128xf32, #tpu.memory_space<hbm>> -> memref<200x128xf32, #tpu.memory_space<hbm>>
      %dma_start3A_126 = arith.constant 0 : i32
      %dma_start3A_127 = tpu.memref_slice %arg5[%add3A_123, %dma_start3A_126] : memref<320000x128xf32, #tpu.memory_space<hbm>> -> memref<200x128xf32, #tpu.memory_space<hbm>>
      tpu.enqueue_dma source(%arg10 : memref<200x128xf32, #tpu.memory_space<vmem>>) target(%dma_start3A_127 : memref<200x128xf32, #tpu.memory_space<hbm>>) target_semaphore(%arg16 : memref<!tpu.dma_semaphore, #tpu.memory_space<semaphore_mem>>)
      %lt3A_128 = arith.constant 24 : i32
      %lt3A_129 = arith.cmpi slt, %scan3A_42, %lt3A_128 : i32
      %convert_element_type3A_130 = arith.extui %lt3A_129 : i1 to i32
      %cond3A_131 = arith.constant 0 : i32
      %cond3A_132 = arith.cmpi ne, %convert_element_type3A_130, %cond3A_131 : i32
      scf.if %cond3A_132 {
        %add3A_133 = arith.constant 2 : i32
        %add3A_134 = arith.addi %add3A_87, %add3A_133 : i32
        %mul3A_135 = arith.constant 200 : i32
        %mul3A_136 = arith.muli %add3A_134, %mul3A_135 : i32
        %add3A_137 = arith.addi %mul3A_2, %mul3A_136 : i32
        %dma_start3A_138 = arith.constant 0 : i32
        %dma_start3A_139 = tpu.memref_slice %arg12[%dma_start3A_138] : memref<216xi32, #tpu.memory_space<vmem>> -> memref<200xi32, #tpu.memory_space<vmem>>
        %dma_start3A_140 = tpu.memref_slice %arg4[%add3A_137] : memref<320000xi32, #tpu.memory_space<hbm>> -> memref<200xi32, #tpu.memory_space<hbm>>
        %dma_start3A_141 = arith.constant 0 : i32
        %dma_start3A_142 = tpu.memref_slice %arg12[%dma_start3A_141] : memref<216xi32, #tpu.memory_space<vmem>> -> memref<200xi32, #tpu.memory_space<vmem>>
        %dma_start3A_143 = tpu.memref_slice %arg4[%add3A_137] : memref<320000xi32, #tpu.memory_space<hbm>> -> memref<200xi32, #tpu.memory_space<hbm>>
        tpu.enqueue_dma source(%dma_start3A_143 : memref<200xi32, #tpu.memory_space<hbm>>) target(%dma_start3A_142 : memref<200xi32, #tpu.memory_space<vmem>>) target_semaphore(%arg14 : memref<!tpu.dma_semaphore, #tpu.memory_space<semaphore_mem>>)
        %dma_start3A_144 = arith.constant 0 : i32
        %dma_start3A_145 = tpu.memref_slice %arg2[%add3A_137, %dma_start3A_144] : memref<320000x128xf32, #tpu.memory_space<hbm>> -> memref<200x128xf32, #tpu.memory_space<hbm>>
        %dma_start3A_146 = arith.constant 0 : i32
        %dma_start3A_147 = tpu.memref_slice %arg2[%add3A_137, %dma_start3A_146] : memref<320000x128xf32, #tpu.memory_space<hbm>> -> memref<200x128xf32, #tpu.memory_space<hbm>>
        tpu.enqueue_dma source(%dma_start3A_147 : memref<200x128xf32, #tpu.memory_space<hbm>>) target(%arg8 : memref<200x128xf32, #tpu.memory_space<vmem>>) target_semaphore(%arg14 : memref<!tpu.dma_semaphore, #tpu.memory_space<semaphore_mem>>)
      } else {
      }
    }
    %scan3A_30 = arith.constant 25 : i32
    %dma_wait3A = arith.constant 0 : i32
    %dma_wait3A_31 = arith.constant 0 : i32
    %dma_wait3A_32 = tpu.memref_slice %arg5[%dma_wait3A, %dma_wait3A_31] : memref<320000x128xf32, #tpu.memory_space<hbm>> -> memref<200x128xf32, #tpu.memory_space<hbm>>
    %dma_wait3A_33 = arith.constant 0 : i32
    %dma_wait3A_34 = arith.constant 0 : i32
    %dma_wait3A_35 = tpu.memref_slice %arg5[%dma_wait3A_33, %dma_wait3A_34] : memref<320000x128xf32, #tpu.memory_space<hbm>> -> memref<200x128xf32, #tpu.memory_space<hbm>>
    tpu.wait_dma2 semaphore(%arg15 : memref<!tpu.dma_semaphore, #tpu.memory_space<semaphore_mem>>) src(%dma_wait3A_35 : memref<200x128xf32, #tpu.memory_space<hbm>>) dst(%arg9 : memref<200x128xf32, #tpu.memory_space<vmem>>)
    %dma_wait3A_36 = arith.constant 0 : i32
    %dma_wait3A_37 = arith.constant 0 : i32
    %dma_wait3A_38 = tpu.memref_slice %arg5[%dma_wait3A_36, %dma_wait3A_37] : memref<320000x128xf32, #tpu.memory_space<hbm>> -> memref<200x128xf32, #tpu.memory_space<hbm>>
    %dma_wait3A_39 = arith.constant 0 : i32
    %dma_wait3A_40 = arith.constant 0 : i32
    %dma_wait3A_41 = tpu.memref_slice %arg5[%dma_wait3A_39, %dma_wait3A_40] : memref<320000x128xf32, #tpu.memory_space<hbm>> -> memref<200x128xf32, #tpu.memory_space<hbm>>
    tpu.wait_dma2 semaphore(%arg16 : memref<!tpu.dma_semaphore, #tpu.memory_space<semaphore_mem>>) src(%dma_wait3A_41 : memref<200x128xf32, #tpu.memory_space<hbm>>) dst(%arg10 : memref<200x128xf32, #tpu.memory_space<vmem>>)
    return
  }
}

</mosaic_0001>

<sc_bundles>
// kernel: kernel.3.cloned.1.call-start
scs
__scs_entry_jumppad:
0x0: {  	(pc) =	sbr.rel $0x88, $3  }
0x1: {  	(tag) =	ssettag $0x0;
	lr =	simm.s32 $0x1  }
0x2: {  	[smem:$0x3F9E] =	sst lr;
	_ =	strace $0xD0000000  }
0x3: {  	_ = 	snop  }
0x4: {  	_ = 	snop  }
0x5: {  	_ = 	snop  }
0x6: {  	_ = 	snop  }
0x7: {  	_ = 	snop  }
__scs_overlays_trampoline_lowered:
0x8: {  	[smem:$0x3FAD] =	sst s0  }
0x9: {  	[smem:$0x3FAE] =	sst s1  }
0xa: {  	[smem:$0x3FAF] =	sst s2  }
0xb: {  	[smem:$0x3FB0] =	sst s3  }
0xc: {  	[smem:$0x3FB1] =	sst s4  }
0xd: {  	[smem:$0x3FB2] =	sst s5  }
0xe: {  	[smem:$0x3FB3] =	sst s6  }
0xf: {  	[smem:$0x3FB4] =	sst s7  }
0x10: {  	[smem:$0x3FB5] =	sst s8  }
0x11: {  	[smem:$0x3FB6] =	sst s9;
	s0 =	simm.s32 @!p0 $0x0  }
0x12: {  	s1 =	sld [smem:$0x3F9C];
	s0 =	simm.s32 @p0 $0x1  }
0x13: {  	[smem:$0x3FB7] =	sst s0;
	s0 =	simm.s32 @!p1 $0x0  }
0x14: {  	s2 =	sld [smem:$0x3F9B];
	s0 =	simm.s32 @p1 $0x1  }
0x15: {  	[smem:$0x3FB8] =	sst s0;
	s0 =	simm.s32 @!p2 $0x0  }
0x16: {  	s3 =	sld [smem:$0x3FDB];
	s0 =	simm.s32 @p2 $0x1  }
0x17: {  	s4 =	simm.s32 $0x1BF5;
	[smem:$0x3FBA] =	sst s0  }
0x18: {  	s0 =	sld [smem:$0x3F9D];
	_ =	swait.ge [sflag:s4], $0x0  }
0x19: {  	s7 =	sld [smem:$0x3F9E]  }
0x1a: {  	s8 =	sadd.s32 $0xFFFFE003, lr  }
0x1b: {  	s9 =	sadd.s32 $0xFFFFFEF7, lr;
	s5 =	simm.s32 $0xFFFFFFFF;
	p2 =	slt.u32 s8, $0xFFFFF086  }
0x1c: {  	p1 =	slt.u32 s9, $0xF7A;
	s5 =	simm.s32 @!p2 $0x0  }
0x1d: {  	s5 =	simm.s32 @p1 $0x1;
	p0 =	seq.s32 s7, s2  }
0x1e: {  	s7 =	smul.u32 @!p0 $0xF7A, s2;
	p2 =	seq.s32 @!p0 s5, $0x0  }
0x1f: {  	s9 =	smul.u32 $0xF7A, s1;
	s8 =	simm.s32 @!p0 $0x1BF5;
	p2 =	por !p2, p0  }
0x20: {  	[sflag:s8] =	ssyncset.s32 @!p0 $0xFFFFF086;
	s6 =	sadd.s32 @!p0 s3, s7;
	s7 =	simm.s32 @!p0 $0x108  }
0x21: {  	s3 =	sadd.s32 s3, s9;
	s6 =	sadd.s32 @!p0 $0x88, s6;
	s7 =	simm.s32 @p2 $0x1082  }
0x22: {  	[simem:s7], [sflag:s8] =	dma.local @!p0 [hbm:s6], $0xF7A  }
0x23: {  	s9 =	sor.u32 $0xD0000000, s2;
	s6 =	simm.s32 $0x108;
	_ =	swait.ge @!p0 [sflag:s8], $0x0  }
0x24: {  	s3 =	sadd.s32 $0x88, s3;
	s6 =	simm.s32 @!p1 $0x1082;
	[sflag:s4] =	ssyncset.s32 $0xFFFFF086  }
0x25: {  	[simem:s6], [sflag:s4] =	dma.local [hbm:s3], $0xF7A  }
0x26: {  	[smem:$0x3F9E] =	sst s1;
	(tag) =	ssettag s2;
	_ =	strace s9  }
0x27: {  	s1 =	sld [smem:$0x3FAE]  }
0x28: {  	s2 =	sld [smem:$0x3FAF]  }
0x29: {  	s4 =	sld [smem:$0x3FB1]  }
0x2a: {  	p0 =	seq.s32 s5, $0x0;
	s5 =	sld [smem:$0x3FB2]  }
0x2b: {  	s6 =	sld [smem:$0x3FB3]  }
0x2c: {  	s7 =	sld [smem:$0x3FB4]  }
0x2d: {  	s3 =	simm.s32 $0x108;
	s8 =	sld [smem:$0x3FB5]  }
0x2e: {  	s3 =	simm.s32 @!p0 $0x1082;
	s9 =	sld [smem:$0x3FB6]  }
0x2f: {  	lr =	sadd.s32 s0, s3;
	s0 =	sld [smem:$0x3FAD]  }
0x30: {  	s3 =	sld [smem:$0x3FB0]  }
0x31: {  	[smem:$0x3FB9] =	sst s10  }
0x32: {  	s10 =	sld [smem:$0x3FB7];
	_ =	sdelay $0x3  }
0x33: {  	p0 =	seq.s32 s10, $0x1;
	s10 =	sld [smem:$0x3FB9];
	_ =	sdelay $0x3  }
0x34: {  	[smem:$0x3FB9] =	sst s10  }
0x35: {  	s10 =	sld [smem:$0x3FB8];
	_ =	sdelay $0x3  }
0x36: {  	p1 =	seq.s32 s10, $0x1;
	s10 =	sld [smem:$0x3FB9];
	_ =	sdelay $0x3  }
0x37: {  	[smem:$0x3FB9] =	sst s10  }
0x38: {  	s10 =	sld [smem:$0x3FBA]  }
0x39: {  	_ = 	snop;
	(pc) =	sbr.ind lr, $3  }
0x3a: {  	_ = 	snop  }
0x3b: {  	_ = 	snop  }
0x3c: {  	p2 =	seq.s32 s10, $0x1;
	s10 =	sld [smem:$0x3FB9]  }
0x3d: {  	_ =	shalt  }
0x3e: {  	_ =	shalt  }
0x3f: {  	_ =	shalt  }
0x40: {  	_ =	shalt  }
0x41: {  	_ =	shalt  }
0x42: {  	_ =	shalt  }
0x43: {  	_ =	shalt  }
0x44: {  	_ =	shalt  }
0x45: {  	_ =	shalt  }
0x46: {  	_ =	shalt  }
0x47: {  	_ =	shalt  }
0x48: {  	_ =	shalt  }
0x49: {  	_ =	shalt  }
0x4a: {  	_ =	shalt  }
0x4b: {  	_ =	shalt  }
0x4c: {  	_ =	shalt  }
0x4d: {  	_ =	shalt  }
0x4e: {  	_ =	shalt  }
0x4f: {  	_ =	shalt  }
0x50: {  	_ =	shalt  }
0x51: {  	_ =	shalt  }
0x52: {  	_ =	shalt  }
0x53: {  	_ =	shalt  }
0x54: {  	_ =	shalt  }
0x55: {  	_ =	shalt  }
0x56: {  	_ =	shalt  }
0x57: {  	_ =	shalt  }
0x58: {  	_ =	shalt  }
0x59: {  	_ =	shalt  }
0x5a: {  	_ =	shalt  }
0x5b: {  	_ =	shalt  }
0x5c: {  	_ =	shalt  }
0x5d: {  	_ =	shalt  }
0x5e: {  	_ =	shalt  }
0x5f: {  	_ =	shalt  }
0x60: {  	_ =	shalt  }
0x61: {  	_ =	shalt  }
0x62: {  	_ =	shalt  }
0x63: {  	_ =	shalt  }
0x64: {  	_ =	shalt  }
0x65: {  	_ =	shalt  }
0x66: {  	_ =	shalt  }
0x67: {  	_ =	shalt  }
0x68: {  	_ =	shalt  }
0x69: {  	_ =	shalt  }
0x6a: {  	_ =	shalt  }
0x6b: {  	_ =	shalt  }
0x6c: {  	_ =	shalt  }
0x6d: {  	_ =	shalt  }
0x6e: {  	_ =	shalt  }
0x6f: {  	_ =	shalt  }
0x70: {  	_ =	shalt  }
0x71: {  	_ =	shalt  }
0x72: {  	_ =	shalt  }
0x73: {  	_ =	shalt  }
0x74: {  	_ =	shalt  }
0x75: {  	_ =	shalt  }
0x76: {  	_ =	shalt  }
0x77: {  	_ =	shalt  }
0x78: {  	_ =	shalt  }
0x79: {  	_ =	shalt  }
0x7a: {  	_ =	shalt  }
0x7b: {  	_ =	shalt  }
0x7c: {  	_ =	shalt  }
0x7d: {  	_ =	shalt  }
0x7e: {  	_ =	shalt  }
0x7f: {  	_ =	shalt  }
0x80: {  	_ =	shalt  }
0x81: {  	_ =	shalt  }
0x82: {  	_ =	shalt  }
0x83: {  	_ =	shalt  }
0x84: {  	_ =	shalt  }
0x85: {  	_ =	shalt  }
0x86: {  	_ =	shalt  }
0x87: {  	_ =	shalt  }
.Lfunc_end0:
.L_simem_size_0:
called_computation_lowered:
.L_overlay_start_0:
0x88: {  	s2 =	sld [smem:$0x3FD9]  }
0x89: {  	s3 =	sld [smem:$0x3FFE];
	_ =	sdelay $0x1  }
0x8a: {  	s1 =	srdreg.scid  }
0x8b: {  	s0 =	sand.u32 $0x1, s1  }
0x8c: {  	s18 =	sshll.u32 s0, $0xA;
	s2 =	sadd.s32 s3, s2  }
0x8d: {  	s2 =	sadd.s32 s2, s18  }
0x8e: {  	[smem:$0x3FC5] =	sst s2  }
0x8f: {  	_ = 	snop  }
0x90: {  	s2 =	sld [smem:$0x3FC9]  }
0x91: {  	s19 =	sld [smem:$0x3FC8]  }
0x92: {  	s4 =	sld [smem:$0x3FC7]  }
0x93: {  	s5 =	sld [smem:$0x3FD0];
	(tm) =	ssettm $0x1  }
0x94: {  	s6 =	sld [smem:$0x3FFB];
	_ =	sdelay $0x3  }
0x95: {  	_ =	strace s6  }
0x96: {  	s6 =	sld [smem:$0x3FFC];
	_ =	sdelay $0x3  }
0x97: {  	_ =	strace s6  }
0x98: {  	s6 =	sld [smem:$0x3FFD];
	_ =	sdelay $0x3  }
0x99: {  	_ =	strace s6  }
0x9a: {  	_ =	strace $0x8FFFFFFF  }
0x9b: {  	s20 =	sld [smem:$0x3FDB];
	_ =	sdelay $0x1  }
0x9c: {  	s7 =	simm.s32 $_scs_section_size  }
0x9d: {  	s8 =	simm.s32 $_size__tile_overlayer_lowered;
	s9 =	simm.s32 $_tile_overlayer_lowered  }
0x9e: {  	s23 =	simm.s32 $0x1BFF;
	s22 =	sshll.u32 s9, $0x1;
	s6 =	sadd.s32 s7, s20  }
0x9f: {  	s10 =	simm.s32 $0x0;
	s21 =	sshll.u32 s8, $0x1;
	s8 =	sadd.s32 s22, s6  }
0xa0: {  	[timem:s10], [sflag:s23] =	dma.local [hbm:s8], s21  }
0xa1: {  	_ =	swait.ge [sflag:s23], s21  }
0xa2: {  	s7 =	ssub.s32 $0x0, s21;
	[sflag:s23] =	ssyncset.done $0x0  }
0xa3: {  	[sflag:s23] =	ssyncadd.s32 s7;
	_ =	sdelay $0x1  }
0xa4: {  	s24 =	simm.s32 $0x1B8B  }
0xa5: {  	_ =	swait.ge [sflag:s24], $0x1  }
0xa6: {  	[sflag:s24] =	ssyncset.done $0x0  }
0xa7: {  	s25 =	simm.s32 $0x1B8E;
	[sflag:s24] =	ssyncadd.s32 $0xFFFFFFFF  }
0xa8: {  	s26 =	simm.s32 $execute0_lowered;
	[smem:$0x3FD2] =	sst s25  }
0xa9: {  	s7 =	sshll.u32 s26, $0x1;
	_ =	strace $0x80000046;
	[dreg:$0x1] =	wrdreg $0xFFFFFFFF  }
0xaa: {  	s28 =	simm.s32 $_size_execute0_lowered;
	s6 =	sadd.s32 s6, s7;
	[dreg:$0x0] =	wrdreg $0x0  }
0xab: {  	s7 =	sshll.u32 s28, $0x1;
	[dreg:$0x2] =	wrdreg s6  }
0xac: {  	[dreg:$0x3] =	wrdreg s7  }
0xad: {  	[dreg:$0x4] =	wrdreg $0xC0  }
0xae: {  	_ =	task [dreg:s10], $0x5FFFF  }
0xaf: {  	[dreg:$0x1] =	wrdreg $0xFFFFFFFF  }
0xb0: {  	[dreg:$0x0] =	wrdreg $0x60  }
0xb1: {  	[dreg:$0x2] =	wrdreg s2  }
0xb2: {  	[dreg:$0x3] =	wrdreg s19  }
0xb3: {  	[dreg:$0x4] =	wrdreg s4  }
0xb4: {  	[dreg:$0x5] =	wrdreg s5  }
0xb5: {  	[dreg:$0x6] =	wrdreg $0x9  }
0xb6: {  	_ =	task.clear_ibuf [dreg:s10], $0x7FFFF;
	_ =	strace $0x90000046  }
0xb7: {  	s29 =	simm.s32 $0x9;
	_ =	strace $0x80000048  }
0xb8: {  	_ =	swait.ge [sflag:s29], $0x1  }
0xb9: {  	[sflag:s29] =	ssyncadd.s32 $0xFFFFFFFF  }
0xba: {  	_ =	strace $0x90000048  }
0xbb: {  	_ =	sfence  }
0xbc: {  	s30 =	sld [smem:$0x0];
	_ =	sdelay $0x2  }
0xbd: {  	s31 =	sshll.u32 s1, $0xD;
	s1 =	sshrl.u32 s1, $0x2  }
0xbe: {  	s3 =	sand.u32 $0x4000, s31;
	s1 =	sadd.s32 s1, s30  }
0xbf: {  	s0 =	sor.u32 s3, s0;
	s1 =	sshll.u32 s1, $0x11  }
0xc0: {  	s0 =	sor.u32 s1, s0  }
0xc1: {  	s0 =	sadd.s32 $0x8F2B, s0  }
0xc2: {  	[sflag:s0] =	ssyncadd.remote.s32 $0x1  }
0xc3: {  	_ =	sfence.sel $0xFFFF  }
0xc4: {  	[dreg:$0x0] =	wrdreg $0xFFFFFFFF;
	(pc) =	sbr.abs _section_cstart, $3  }
0xc5: {  	[dreg:$0x1] =	wrdreg $0xFFFFFFFF  }
0xc6: {  	_ =	task.clear_ibuf [dreg:s10], $0x2FFFF;
	_ =	strace $0x9FFFFFFF  }
0xc7: {  	(tm) =	ssettm $0x7FFFFFFF  }
tec
execute0_lowered:
.L_overlay_start_1:
0x0: {  	(tag) =	ssettag $0x1  }
0x1: {  	s1 =	rddreg [dreg:$0x0]  }
0x2: {  	s4 =	rddreg [dreg:$0x2]  }
0x3: {  	s5 =	rddreg [dreg:$0x3]  }
0x4: {  	s0 =	srdreg.scid;
	s2 =	stileid.u32;
	s6 =	simm.s32 $0x0  }
0x5: {  	s16 =	simm.s32 $0x5;
	s18 =	simm.s32 $0x800;
	s19 =	simm.s32 $0x19900  }
0x6: {  	s20 =	simm.s32 $0x6C00;
	s21 =	simm.s32 $0x1;
	s22 =	simm.s32 $0xD000  }
0x7: {  	s23 =	simm.s32 $0x2;
	s0 =	sand.u32 $0x1, s0;
	s2 =	sshll.u32 s2, $0x1  }
0x8: {  	s24 =	simm.s32 $0x13400;
	s3 =	ssub.s32 $0x2, s0;
	s0 =	sor.u32 s0, s2  }
0x9: {  	s25 =	simm.s32 $0x3;
	s26 =	simm.s32 $0x4;
	s7 =	smul.u32 $0x2710, s0  }
0xa: {  	s28 =	simm.s32 $0x0;
	[smem:$0x7FF] =	sst s6;
	s0 =	smul.u32 $0x27100, s0  }
.Ltmp0:
0xb: {  	_ =	strace $0x80000047;
	s29 =	sshrl.u32 s3, $0x1;
	(pc) =	sbr.rel .LBB2_1-.Ltmp0, $4  }
0xc: {  	s2 =	ssub.s32 s3, s29;
	s30 =	sshrl.u32 s7, $0x3;
	s8 =	sadd.s32 $0xC8, s7  }
0xd: {  	s10 =	sadd.s32 s1, s0;
	s13 =	sadd.s32 $0x190, s7;
	s14 =	sadd.s32 $0x258, s7  }
0xe: {  	s15 =	smax.u32 s2, $0x1;
	s31 =	sshrl.u32 s8, $0x3;
	s12 =	sshll.u32 s8, $0x4  }
0xf: {  	s9 =	sadd.s32 s4, s30;
	s11 =	sadd.s32 s4, s31;
	s12 =	sadd.s32 s1, s12  }
.LBB2_18:
0x10: {  	s28 =	sadd.s32 $0x1, s28  }
0x11: {  	_ =	swait.ge [sflag:s25], $0x6400;
	p0 =	sne.s32 s28, s15  }
.Ltmp1:
0x12: {  	[sflag:s25] =	ssyncset.done $0x0;
	(pc) =	sbr.rel @!p0 .LBB2_19-.Ltmp1, $4  }
0x13: {  	[sflag:s25] =	ssyncadd.s32 $0xFFFF9C00  }
0x14: {  	_ =	swait.ge [sflag:s26], $0x6400  }
0x15: {  	[sflag:s26] =	ssyncset.done $0x0  }
0x16: {  	[sflag:s26] =	ssyncadd.s32 $0xFFFF9C00  }
.LBB2_1:
0x17: {  	s0 =	rddreg [dreg:$0x1]  }
0x18: {  	[tilespmem:s6], [sflag:$0x5] =	stream.linear.gather [hbm4b:s0+s6], $0x800, $0x38;
	[tilespmem:$0x19A00] =	vst v63  }
0x19: {  	_ =	swait.ge [sflag:s16], $0x800  }
0x1a: {  	[sflag:s16] =	ssyncset.done $0x0  }
0x1b: {  	s31 =	simm.s32 $0x19800;
	[sflag:s16] =	ssyncadd.s32 $0xFFFFF800  }
0x1c: {  	[tilespmem:s31], [sflag:$0x1] =	stream.linear.gather [hbm4b:s9+s6], $0xC8, $0x38;
	[tilespmem:$0x19A00] =	vst v63  }
0x1d: {  	_ = 	snop  }
0x1e: {  	[tilespmem:s18], [sflag:$0x1] =	stream.linear.gather [hbm4b:s10+s6], $0x6400, $0x38;
	[tilespmem:$0x19A00] =	vst v63  }
0x1f: {  	_ = 	snop  }
0x20: {  	[tilespmem:s19], [sflag:$0x2] =	stream.linear.gather [hbm4b:s11+s6], $0xC8, $0x38;
	[tilespmem:$0x19A00] =	vst v63  }
0x21: {  	s29 =	simm.s32 $0x0  }
0x22: {  	[tilespmem:s20], [sflag:$0x2] =	stream.linear.gather [hbm4b:s12+s6], $0x6400, $0x38;
	[tilespmem:$0x19A00] =	vst v63  }
.LBB2_2:
0x23: {  	_ =	swait.ge [sflag:s21], $0xC8  }
0x24: {  	[sflag:s21] =	ssyncset.done $0x0  }
0x25: {  	[sflag:s21] =	ssyncadd.s32 $0xFFFFFF38  }
0x26: {  	_ =	swait.ge [sflag:s21], $0x6400  }
0x27: {  	p0 =	seq.s32 s29, $0x0;
	[sflag:s21] =	ssyncset.done $0x0  }
0x28: {  	s0 =	simm.s32 @!p0 $0x3;
	[sflag:s21] =	ssyncadd.s32 $0xFFFF9C00  }
0x29: {  	_ =	swait.ge @!p0 [sflag:s0], $0x6400  }
0x2a: {  	[sflag:s0] =	ssyncset.done @!p0 $0x0  }
0x2b: {  	[sflag:s0] =	ssyncadd.s32 @!p0 $0xFFFF9C00  }
0x2c: {  	v0 =	vld [tilespmem:$0x19800]  }
0x2d: {  	v1 =	vld [tilespmem:$0x198B8];
	_ =	sdelay $0x3  }
0x2e: {  	(v2sf) =	vpush v0, $0x0  }
0x2f: {  	(v2sf) =	vpush v1, $0xF;
	_ =	sdelay $0xd  }
0x30: {  	s0 =	spop (v2sf)  }
0x31: {  	s2 =	spop (v2sf)  }
0x32: {  	p1 =	sne.s32 s0, s2  }
.Ltmp2:
0x33: {  	_ = 	snop;
	(pc) =	sbr.rel @p1 .LBB2_3-.Ltmp2, $1  }
0x34: {  	_ =	sdelay $0x3  }
0x35: {  	s2 =	simm.s32 $0x0  }
0x36: {  	v9 =	vld [tilespmem:s2+$0x870]  }
0x37: {  	v13 =	vld [tilespmem:s2+$0x800]  }
0x38: {  	v14 =	vld [tilespmem:s2+$0x810]  }
0x39: {  	v12 =	vld [tilespmem:s2+$0x820]  }
0x3a: {  	v11 =	vld [tilespmem:s2+$0x830]  }
0x3b: {  	s0 =	sshll.u32 s0, $0x9;
	v8 =	vld [tilespmem:s2+$0x840]  }
0x3c: {  	s0 =	sshra.s32 s0, $0x2;
	v10 =	vld [tilespmem:s2+$0x860]  }
0x3d: {  	v6 =	vld [tilespmem:s0+$0x0]  }
0x3e: {  	v7 =	vld [tilespmem:s0+$0x70]  }
0x3f: {  	v5 =	vld [tilespmem:s0+$0x10]  }
0x40: {  	v4 =	vld [tilespmem:s0+$0x20]  }
0x41: {  	v3 =	vld [tilespmem:s0+$0x30]  }
0x42: {  	v2 =	vld [tilespmem:s0+$0x40]  }
0x43: {  	v1 =	vld [tilespmem:s0+$0x50];
	v15 =	vadd.f32 v9, v7  }
0x44: {  	v9 =	vld [tilespmem:s2+$0x850];
	v13 =	vadd.f32 v13, v6  }
0x45: {  	s3 =	simm.s32 $0x400;
	v0 =	vld [tilespmem:s0+$0x60];
	s0 =	simm.s32 $0x80;
	v14 =	vadd.f32 v14, v5;
	[tilespmem:s2+$0xD070] =	vst v15  }
.LBB2_7:
0x46: {  	p1 =	seq.s32 s3, $0x18E00;
	v15 =	vld [tilespmem:s0+$0x870];
	[tilespmem:s2+$0xD000] =	vst v13;
	v12 =	vadd.f32 v12, v4  }
0x47: {  	v13 =	vld [tilespmem:s0+$0x800];
	[tilespmem:s2+$0xD010] =	vst v14;
	v11 =	vadd.f32 v11, v3  }
0x48: {  	v14 =	vld [tilespmem:s0+$0x810];
	[tilespmem:s2+$0xD020] =	vst v12;
	v8 =	vadd.f32 v8, v2  }
.Ltmp3:
0x49: {  	v12 =	vld [tilespmem:s0+$0x820];
	[tilespmem:s2+$0xD030] =	vst v11;
	v9 =	vadd.f32 v9, v1;
	(pc) =	sbr.rel @!p1 .LBB2_7-.Ltmp3, $4  }
0x4a: {  	v11 =	vld [tilespmem:s0+$0x830];
	[tilespmem:s2+$0xD040] =	vst v8;
	v10 =	vadd.f32 v10, v0  }
0x4b: {  	v8 =	vld [tilespmem:s0+$0x840];
	v15 =	vadd.f32 v15, v7;
	[tilespmem:s2+$0xD050] =	vst v9  }
0x4c: {  	v13 =	vadd.f32 v13, v6;
	v9 =	vld [tilespmem:s0+$0x850];
	[tilespmem:s2+$0xD060] =	vst v10;
	s2 =	smov.u32 s0  }
0x4d: {  	s0 =	sshra.s32 s3, $0x2;
	s3 =	sadd.s32 $0x200, s3;
	v14 =	vadd.f32 v14, v5;
	v10 =	vld [tilespmem:s2+$0x860];
	[tilespmem:s2+$0xD070] =	vst v15  }
0x4e: {  	v15 =	vld [tilespmem:s0+$0x870];
	[tilespmem:s2+$0xD000] =	vst v13;
	v12 =	vadd.f32 v12, v4  }
0x4f: {  	v13 =	vld [tilespmem:s0+$0x800];
	[tilespmem:s2+$0xD010] =	vst v14;
	v11 =	vadd.f32 v11, v3  }
0x50: {  	v14 =	vld [tilespmem:s0+$0x810];
	[tilespmem:s2+$0xD020] =	vst v12;
	v8 =	vadd.f32 v8, v2  }
0x51: {  	v12 =	vld [tilespmem:s0+$0x820];
	[tilespmem:s2+$0xD030] =	vst v11;
	v9 =	vadd.f32 v9, v1  }
0x52: {  	v11 =	vld [tilespmem:s0+$0x830];
	[tilespmem:s2+$0xD040] =	vst v8;
	v10 =	vadd.f32 v10, v0  }
0x53: {  	v8 =	vld [tilespmem:s0+$0x840];
	[tilespmem:s2+$0xD050] =	vst v9;
	v7 =	vadd.f32 v15, v7  }
0x54: {  	v9 =	vld [tilespmem:s0+$0x850];
	[tilespmem:s2+$0xD060] =	vst v10;
	v6 =	vadd.f32 v13, v6  }
0x55: {  	v10 =	vld [tilespmem:s0+$0x860];
	v5 =	vadd.f32 v14, v5;
	[tilespmem:s0+$0xD070] =	vst v7  }
0x56: {  	[tilespmem:s0+$0xD000] =	vst v6;
	v59 =	vadd.f32 v12, v4  }
0x57: {  	[tilespmem:s0+$0xD010] =	vst v5;
	v60 =	vadd.f32 v11, v3  }
.Ltmp4:
0x58: {  	[tilespmem:s0+$0xD020] =	vst v59;
	v61 =	vadd.f32 v8, v2;
	(pc) =	sbr.rel .LBB2_9-.Ltmp4, $4  }
0x59: {  	[tilespmem:s0+$0xD030] =	vst v60;
	v62 =	vadd.f32 v9, v1  }
0x5a: {  	[tilespmem:s0+$0xD040] =	vst v61;
	v63 =	vadd.f32 v10, v0  }
0x5b: {  	[tilespmem:s0+$0xD050] =	vst v62  }
0x5c: {  	[tilespmem:s0+$0xD060] =	vst v63  }
.LBB2_3:
0x5d: {  	s31 =	simm.s32 $0x19800  }
0x5e: {  	s30 =	simm.s32 $0x0;
	s0 =	simm.s32 $0x200;
	v0 =	vld [tilespmem:s31+$0x0]  }
.LBB2_4:
0x5f: {  	p1 =	sne.s32 s0, $0x18E00;
	_ =	sdelay $0x3  }
0x60: {  	(v2sf) =	vpush v0, $0x0;
	_ =	sdelay $0xe  }
0x61: {  	s3 =	spop (v2sf)  }
0x62: {  	s2 =	sshra.s32 s30, $0x2;
	s30 =	smov.u32 s0;
	s3 =	sshll.u32 s3, $0x9  }
0x63: {  	v0 =	vld [tilespmem:s2+$0x800];
	s3 =	sshra.s32 s3, $0x2  }
0x64: {  	v1 =	vld [tilespmem:s3+$0x0];
	_ =	sdelay $0x4  }
0x65: {  	v0 =	vadd.f32 v1, v0;
	_ =	sdelay $0x1  }
0x66: {  	[tilespmem:s2+$0xD000] =	vst v0;
	v0 =	vld [tilespmem:s2+$0x810]  }
0x67: {  	v1 =	vld [tilespmem:s3+$0x10];
	_ =	sdelay $0x4  }
0x68: {  	v0 =	vadd.f32 v1, v0;
	_ =	sdelay $0x1  }
0x69: {  	[tilespmem:s2+$0xD010] =	vst v0;
	v0 =	vld [tilespmem:s2+$0x820]  }
0x6a: {  	v1 =	vld [tilespmem:s3+$0x20];
	_ =	sdelay $0x4  }
0x6b: {  	v0 =	vadd.f32 v1, v0;
	_ =	sdelay $0x1  }
0x6c: {  	[tilespmem:s2+$0xD020] =	vst v0;
	v0 =	vld [tilespmem:s2+$0x830]  }
0x6d: {  	v1 =	vld [tilespmem:s3+$0x30];
	_ =	sdelay $0x4  }
0x6e: {  	v0 =	vadd.f32 v1, v0;
	_ =	sdelay $0x1  }
0x6f: {  	[tilespmem:s2+$0xD030] =	vst v0;
	v0 =	vld [tilespmem:s2+$0x840]  }
0x70: {  	v1 =	vld [tilespmem:s3+$0x40];
	_ =	sdelay $0x4  }
0x71: {  	v0 =	vadd.f32 v1, v0;
	_ =	sdelay $0x1  }
0x72: {  	[tilespmem:s2+$0xD040] =	vst v0;
	v0 =	vld [tilespmem:s2+$0x850]  }
0x73: {  	v1 =	vld [tilespmem:s3+$0x50];
	_ =	sdelay $0x4  }
0x74: {  	v0 =	vadd.f32 v1, v0;
	_ =	sdelay $0x1  }
0x75: {  	[tilespmem:s2+$0xD050] =	vst v0;
	v0 =	vld [tilespmem:s2+$0x860]  }
0x76: {  	v1 =	vld [tilespmem:s3+$0x60];
	_ =	sdelay $0x4  }
0x77: {  	v0 =	vadd.f32 v1, v0;
	_ =	sdelay $0x1  }
0x78: {  	[tilespmem:s2+$0xD060] =	vst v0;
	v0 =	vld [tilespmem:s2+$0x870]  }
0x79: {  	v1 =	vld [tilespmem:s3+$0x70];
	_ =	sdelay $0x3  }
.Ltmp5:
0x7a: {  	(pc) =	sbr.rel @p1 .LBB2_4-.Ltmp5, $3  }
0x7b: {  	v0 =	vadd.f32 v1, v0;
	_ =	sdelay $0x1  }
0x7c: {  	s31 =	sadd.s32 $0x1, s31;
	[tilespmem:s2+$0xD070] =	vst v0  }
0x7d: {  	s0 =	sadd.s32 $0x200, s0;
	v0 =	vld [tilespmem:s31+$0x0]  }
0x7e: {  	_ =	sdelay $0x3  }
0x7f: {  	(v2sf) =	vpush v0, $0x0;
	_ =	sdelay $0xe  }
0x80: {  	s0 =	spop (v2sf)  }
0x81: {  	s2 =	sshra.s32 s30, $0x2;
	s0 =	sshll.u32 s0, $0x9  }
0x82: {  	v49 =	vld [tilespmem:s2+$0x800];
	s0 =	sshra.s32 s0, $0x2  }
0x83: {  	v1 =	vld [tilespmem:s0+$0x0];
	_ =	sdelay $0x4  }
0x84: {  	v0 =	vadd.f32 v1, v49;
	_ =	sdelay $0x1  }
0x85: {  	v50 =	vld [tilespmem:s2+$0x810];
	[tilespmem:s2+$0xD000] =	vst v0  }
0x86: {  	v51 =	vld [tilespmem:s0+$0x10];
	_ =	sdelay $0x4  }
0x87: {  	v0 =	vadd.f32 v51, v50;
	_ =	sdelay $0x1  }
0x88: {  	v52 =	vld [tilespmem:s2+$0x820];
	[tilespmem:s2+$0xD010] =	vst v0  }
0x89: {  	v53 =	vld [tilespmem:s0+$0x20];
	_ =	sdelay $0x4  }
0x8a: {  	v0 =	vadd.f32 v53, v52;
	_ =	sdelay $0x1  }
0x8b: {  	v54 =	vld [tilespmem:s2+$0x830];
	[tilespmem:s2+$0xD020] =	vst v0  }
0x8c: {  	v55 =	vld [tilespmem:s0+$0x30];
	_ =	sdelay $0x4  }
0x8d: {  	v0 =	vadd.f32 v55, v54;
	_ =	sdelay $0x1  }
0x8e: {  	v56 =	vld [tilespmem:s2+$0x840];
	[tilespmem:s2+$0xD030] =	vst v0  }
0x8f: {  	v57 =	vld [tilespmem:s0+$0x40];
	_ =	sdelay $0x4  }
0x90: {  	v0 =	vadd.f32 v57, v56;
	_ =	sdelay $0x1  }
0x91: {  	v58 =	vld [tilespmem:s2+$0x850];
	[tilespmem:s2+$0xD040] =	vst v0  }
0x92: {  	v59 =	vld [tilespmem:s0+$0x50];
	_ =	sdelay $0x4  }
0x93: {  	v0 =	vadd.f32 v59, v58;
	_ =	sdelay $0x1  }
0x94: {  	v60 =	vld [tilespmem:s2+$0x860];
	[tilespmem:s2+$0xD050] =	vst v0  }
0x95: {  	v61 =	vld [tilespmem:s0+$0x60];
	_ =	sdelay $0x4  }
0x96: {  	v0 =	vadd.f32 v61, v60;
	_ =	sdelay $0x1  }
0x97: {  	v62 =	vld [tilespmem:s2+$0x870];
	[tilespmem:s2+$0xD060] =	vst v0  }
0x98: {  	v63 =	vld [tilespmem:s0+$0x70];
	_ =	sdelay $0x4  }
0x99: {  	v0 =	vadd.f32 v63, v62;
	_ =	sdelay $0x1  }
0x9a: {  	[tilespmem:s2+$0xD070] =	vst v0  }
.LBB2_9:
0x9b: {  	s30 =	smul.u32 $0x190, s29;
	_ =	sdelay $0x1  }
0x9c: {  	s0 =	sadd.s32 s7, s30  }
0x9d: {  	s0 =	sshll.u32 s0, $0x4  }
0x9e: {  	p1 =	seq.s32 s29, $0x18;
	s0 =	sadd.s32 s5, s0  }
0x9f: {  	[hbm4b:s0+s6] =	stream.linear.scatter [tilespmem:s22], [sflag:$0x3], $0x6400, $0x38;
	[tilespmem:$0x19A00] =	vst v63  }
0xa0: {  	s0 =	sadd.s32 @!p1 s30, s13  }
0xa1: {  	s3 =	simm.s32 @!p1 $0x0;
	s2 =	sshrl.u32 @!p1 s0, $0x3  }
0xa2: {  	s17 =	simm.s32 @!p1 $0x19800;
	s0 =	sshll.u32 @!p1 s0, $0x4;
	s2 =	sadd.s32 @!p1 s4, s2  }
0xa3: {  	[tilespmem:s17], [sflag:$0x1] =	stream.linear.gather @!p1 [hbm4b:s2+s3], $0xC8, $0x38;
	[tilespmem:$0x19A00] =	vst v63  }
0xa4: {  	s0 =	sadd.s32 @!p1 s1, s0;
	s2 =	simm.s32 @!p1 $0x800  }
0xa5: {  	[tilespmem:s2], [sflag:$0x1] =	stream.linear.gather @!p1 [hbm4b:s0+s3], $0x6400, $0x38;
	[tilespmem:$0x19A00] =	vst v63  }
0xa6: {  	_ =	swait.ge [sflag:s23], $0xC8  }
0xa7: {  	[sflag:s23] =	ssyncset.done $0x0  }
0xa8: {  	[sflag:s23] =	ssyncadd.s32 $0xFFFFFF38  }
0xa9: {  	_ =	swait.ge [sflag:s23], $0x6400  }
0xaa: {  	[sflag:s23] =	ssyncset.done $0x0  }
0xab: {  	s0 =	simm.s32 @!p0 $0x4;
	[sflag:s23] =	ssyncadd.s32 $0xFFFF9C00  }
0xac: {  	_ =	swait.ge @!p0 [sflag:s0], $0x6400  }
0xad: {  	[sflag:s0] =	ssyncset.done @!p0 $0x0  }
0xae: {  	[sflag:s0] =	ssyncadd.s32 @!p0 $0xFFFF9C00  }
0xaf: {  	v0 =	vld [tilespmem:$0x19900]  }
0xb0: {  	v1 =	vld [tilespmem:$0x199B8];
	_ =	sdelay $0x3  }
0xb1: {  	(v2sf) =	vpush v0, $0x0  }
0xb2: {  	(v2sf) =	vpush v1, $0xF;
	_ =	sdelay $0xd  }
0xb3: {  	s0 =	spop (v2sf)  }
0xb4: {  	s31 =	spop (v2sf)  }
0xb5: {  	p0 =	sne.s32 s0, s31  }
.Ltmp6:
0xb6: {  	_ = 	snop;
	(pc) =	sbr.rel @p0 .LBB2_10-.Ltmp6, $1  }
0xb7: {  	_ =	sdelay $0x3  }
0xb8: {  	s2 =	simm.s32 $0x0  }
0xb9: {  	v9 =	vld [tilespmem:s2+$0x6C70]  }
0xba: {  	v13 =	vld [tilespmem:s2+$0x6C00]  }
0xbb: {  	v14 =	vld [tilespmem:s2+$0x6C10]  }
0xbc: {  	v12 =	vld [tilespmem:s2+$0x6C20]  }
0xbd: {  	v11 =	vld [tilespmem:s2+$0x6C30]  }
0xbe: {  	s0 =	sshll.u32 s0, $0x9;
	v8 =	vld [tilespmem:s2+$0x6C40]  }
0xbf: {  	s0 =	sshra.s32 s0, $0x2;
	v10 =	vld [tilespmem:s2+$0x6C60]  }
0xc0: {  	v6 =	vld [tilespmem:s0+$0x0]  }
0xc1: {  	v7 =	vld [tilespmem:s0+$0x70]  }
0xc2: {  	v5 =	vld [tilespmem:s0+$0x10]  }
0xc3: {  	v4 =	vld [tilespmem:s0+$0x20]  }
0xc4: {  	v3 =	vld [tilespmem:s0+$0x30]  }
0xc5: {  	v2 =	vld [tilespmem:s0+$0x40]  }
0xc6: {  	v1 =	vld [tilespmem:s0+$0x50];
	v15 =	vadd.f32 v9, v7  }
0xc7: {  	v9 =	vld [tilespmem:s2+$0x6C50];
	v13 =	vadd.f32 v13, v6  }
0xc8: {  	s3 =	simm.s32 $0x400;
	v0 =	vld [tilespmem:s0+$0x60];
	s0 =	simm.s32 $0x80;
	v14 =	vadd.f32 v14, v5;
	[tilespmem:s2+$0x13470] =	vst v15  }
.LBB2_14:
0xc9: {  	p0 =	seq.s32 s3, $0x18E00;
	v15 =	vld [tilespmem:s0+$0x6C70];
	[tilespmem:s2+$0x13400] =	vst v13;
	v12 =	vadd.f32 v12, v4  }
0xca: {  	v13 =	vld [tilespmem:s0+$0x6C00];
	[tilespmem:s2+$0x13410] =	vst v14;
	v11 =	vadd.f32 v11, v3  }
0xcb: {  	v14 =	vld [tilespmem:s0+$0x6C10];
	[tilespmem:s2+$0x13420] =	vst v12;
	v8 =	vadd.f32 v8, v2  }
.Ltmp7:
0xcc: {  	v12 =	vld [tilespmem:s0+$0x6C20];
	[tilespmem:s2+$0x13430] =	vst v11;
	v9 =	vadd.f32 v9, v1;
	(pc) =	sbr.rel @!p0 .LBB2_14-.Ltmp7, $4  }
0xcd: {  	v11 =	vld [tilespmem:s0+$0x6C30];
	[tilespmem:s2+$0x13440] =	vst v8;
	v10 =	vadd.f32 v10, v0  }
0xce: {  	v8 =	vld [tilespmem:s0+$0x6C40];
	v15 =	vadd.f32 v15, v7;
	[tilespmem:s2+$0x13450] =	vst v9  }
0xcf: {  	v13 =	vadd.f32 v13, v6;
	v9 =	vld [tilespmem:s0+$0x6C50];
	[tilespmem:s2+$0x13460] =	vst v10;
	s2 =	smov.u32 s0  }
0xd0: {  	s0 =	sshra.s32 s3, $0x2;
	s3 =	sadd.s32 $0x200, s3;
	v14 =	vadd.f32 v14, v5;
	v10 =	vld [tilespmem:s2+$0x6C60];
	[tilespmem:s2+$0x13470] =	vst v15  }
0xd1: {  	v15 =	vld [tilespmem:s0+$0x6C70];
	[tilespmem:s2+$0x13400] =	vst v13;
	v12 =	vadd.f32 v12, v4  }
0xd2: {  	v13 =	vld [tilespmem:s0+$0x6C00];
	[tilespmem:s2+$0x13410] =	vst v14;
	v11 =	vadd.f32 v11, v3  }
0xd3: {  	v14 =	vld [tilespmem:s0+$0x6C10];
	[tilespmem:s2+$0x13420] =	vst v12;
	v8 =	vadd.f32 v8, v2  }
0xd4: {  	v12 =	vld [tilespmem:s0+$0x6C20];
	[tilespmem:s2+$0x13430] =	vst v11;
	v9 =	vadd.f32 v9, v1  }
0xd5: {  	v11 =	vld [tilespmem:s0+$0x6C30];
	[tilespmem:s2+$0x13440] =	vst v8;
	v10 =	vadd.f32 v10, v0  }
0xd6: {  	v8 =	vld [tilespmem:s0+$0x6C40];
	[tilespmem:s2+$0x13450] =	vst v9;
	v7 =	vadd.f32 v15, v7  }
0xd7: {  	v9 =	vld [tilespmem:s0+$0x6C50];
	[tilespmem:s2+$0x13460] =	vst v10;
	v6 =	vadd.f32 v13, v6  }
0xd8: {  	v10 =	vld [tilespmem:s0+$0x6C60];
	v5 =	vadd.f32 v14, v5;
	[tilespmem:s0+$0x13470] =	vst v7  }
0xd9: {  	[tilespmem:s0+$0x13400] =	vst v6;
	v59 =	vadd.f32 v12, v4  }
0xda: {  	[tilespmem:s0+$0x13410] =	vst v5;
	v60 =	vadd.f32 v11, v3  }
.Ltmp8:
0xdb: {  	[tilespmem:s0+$0x13420] =	vst v59;
	v61 =	vadd.f32 v8, v2;
	(pc) =	sbr.rel .LBB2_16-.Ltmp8, $4  }
0xdc: {  	[tilespmem:s0+$0x13430] =	vst v60;
	v62 =	vadd.f32 v9, v1  }
0xdd: {  	[tilespmem:s0+$0x13440] =	vst v61;
	v63 =	vadd.f32 v10, v0  }
0xde: {  	[tilespmem:s0+$0x13450] =	vst v62  }
0xdf: {  	[tilespmem:s0+$0x13460] =	vst v63  }
.LBB2_10:
0xe0: {  	s0 =	simm.s32 $0x19900  }
0xe1: {  	s31 =	simm.s32 $0x0;
	s2 =	simm.s32 $0x200;
	v0 =	vld [tilespmem:s0+$0x0]  }
.LBB2_11:
0xe2: {  	p0 =	sne.s32 s2, $0x18E00;
	_ =	sdelay $0x3  }
0xe3: {  	(v2sf) =	vpush v0, $0x0;
	_ =	sdelay $0xe  }
0xe4: {  	s17 =	spop (v2sf)  }
0xe5: {  	s3 =	sshra.s32 s31, $0x2;
	s31 =	smov.u32 s2;
	s17 =	sshll.u32 s17, $0x9  }
0xe6: {  	v0 =	vld [tilespmem:s3+$0x6C00];
	s17 =	sshra.s32 s17, $0x2  }
0xe7: {  	v1 =	vld [tilespmem:s17+$0x0];
	_ =	sdelay $0x4  }
0xe8: {  	v0 =	vadd.f32 v1, v0;
	_ =	sdelay $0x1  }
0xe9: {  	[tilespmem:s3+$0x13400] =	vst v0;
	v0 =	vld [tilespmem:s3+$0x6C10]  }
0xea: {  	v1 =	vld [tilespmem:s17+$0x10];
	_ =	sdelay $0x4  }
0xeb: {  	v0 =	vadd.f32 v1, v0;
	_ =	sdelay $0x1  }
0xec: {  	[tilespmem:s3+$0x13410] =	vst v0;
	v0 =	vld [tilespmem:s3+$0x6C20]  }
0xed: {  	v1 =	vld [tilespmem:s17+$0x20];
	_ =	sdelay $0x4  }
0xee: {  	v0 =	vadd.f32 v1, v0;
	_ =	sdelay $0x1  }
0xef: {  	[tilespmem:s3+$0x13420] =	vst v0;
	v0 =	vld [tilespmem:s3+$0x6C30]  }
0xf0: {  	v1 =	vld [tilespmem:s17+$0x30];
	_ =	sdelay $0x4  }
0xf1: {  	v0 =	vadd.f32 v1, v0;
	_ =	sdelay $0x1  }
0xf2: {  	[tilespmem:s3+$0x13430] =	vst v0;
	v0 =	vld [tilespmem:s3+$0x6C40]  }
0xf3: {  	v1 =	vld [tilespmem:s17+$0x40];
	_ =	sdelay $0x4  }
0xf4: {  	v0 =	vadd.f32 v1, v0;
	_ =	sdelay $0x1  }
0xf5: {  	[tilespmem:s3+$0x13440] =	vst v0;
	v0 =	vld [tilespmem:s3+$0x6C50]  }
0xf6: {  	v1 =	vld [tilespmem:s17+$0x50];
	_ =	sdelay $0x4  }
0xf7: {  	v0 =	vadd.f32 v1, v0;
	_ =	sdelay $0x1  }
0xf8: {  	[tilespmem:s3+$0x13450] =	vst v0;
	v0 =	vld [tilespmem:s3+$0x6C60]  }
0xf9: {  	v1 =	vld [tilespmem:s17+$0x60];
	_ =	sdelay $0x4  }
0xfa: {  	v0 =	vadd.f32 v1, v0;
	_ =	sdelay $0x1  }
0xfb: {  	[tilespmem:s3+$0x13460] =	vst v0;
	v0 =	vld [tilespmem:s3+$0x6C70]  }
0xfc: {  	v1 =	vld [tilespmem:s17+$0x70];
	_ =	sdelay $0x3  }
.Ltmp9:
0xfd: {  	(pc) =	sbr.rel @p0 .LBB2_11-.Ltmp9, $3  }
0xfe: {  	v0 =	vadd.f32 v1, v0;
	_ =	sdelay $0x1  }
0xff: {  	s0 =	sadd.s32 $0x1, s0;
	[tilespmem:s3+$0x13470] =	vst v0  }
0x100: {  	s2 =	sadd.s32 $0x200, s2;
	v0 =	vld [tilespmem:s0+$0x0]  }
0x101: {  	_ =	sdelay $0x3  }
0x102: {  	(v2sf) =	vpush v0, $0x0;
	_ =	sdelay $0xe  }
0x103: {  	s0 =	spop (v2sf)  }
0x104: {  	s2 =	sshra.s32 s31, $0x2;
	s0 =	sshll.u32 s0, $0x9  }
0x105: {  	v49 =	vld [tilespmem:s2+$0x6C00];
	s0 =	sshra.s32 s0, $0x2  }
0x106: {  	v1 =	vld [tilespmem:s0+$0x0];
	_ =	sdelay $0x4  }
0x107: {  	v0 =	vadd.f32 v1, v49;
	_ =	sdelay $0x1  }
0x108: {  	v50 =	vld [tilespmem:s2+$0x6C10];
	[tilespmem:s2+$0x13400] =	vst v0  }
0x109: {  	v51 =	vld [tilespmem:s0+$0x10];
	_ =	sdelay $0x4  }
0x10a: {  	v0 =	vadd.f32 v51, v50;
	_ =	sdelay $0x1  }
0x10b: {  	v52 =	vld [tilespmem:s2+$0x6C20];
	[tilespmem:s2+$0x13410] =	vst v0  }
0x10c: {  	v53 =	vld [tilespmem:s0+$0x20];
	_ =	sdelay $0x4  }
0x10d: {  	v0 =	vadd.f32 v53, v52;
	_ =	sdelay $0x1  }
0x10e: {  	v54 =	vld [tilespmem:s2+$0x6C30];
	[tilespmem:s2+$0x13420] =	vst v0  }
0x10f: {  	v55 =	vld [tilespmem:s0+$0x30];
	_ =	sdelay $0x4  }
0x110: {  	v0 =	vadd.f32 v55, v54;
	_ =	sdelay $0x1  }
0x111: {  	v56 =	vld [tilespmem:s2+$0x6C40];
	[tilespmem:s2+$0x13430] =	vst v0  }
0x112: {  	v57 =	vld [tilespmem:s0+$0x40];
	_ =	sdelay $0x4  }
0x113: {  	v0 =	vadd.f32 v57, v56;
	_ =	sdelay $0x1  }
0x114: {  	v58 =	vld [tilespmem:s2+$0x6C50];
	[tilespmem:s2+$0x13440] =	vst v0  }
0x115: {  	v59 =	vld [tilespmem:s0+$0x50];
	_ =	sdelay $0x4  }
0x116: {  	v0 =	vadd.f32 v59, v58;
	_ =	sdelay $0x1  }
0x117: {  	v60 =	vld [tilespmem:s2+$0x6C60];
	[tilespmem:s2+$0x13450] =	vst v0  }
0x118: {  	v61 =	vld [tilespmem:s0+$0x60];
	_ =	sdelay $0x4  }
0x119: {  	v0 =	vadd.f32 v61, v60;
	_ =	sdelay $0x1  }
0x11a: {  	v62 =	vld [tilespmem:s2+$0x6C70];
	[tilespmem:s2+$0x13460] =	vst v0  }
0x11b: {  	v63 =	vld [tilespmem:s0+$0x70];
	_ =	sdelay $0x4  }
0x11c: {  	v0 =	vadd.f32 v63, v62;
	_ =	sdelay $0x1  }
0x11d: {  	[tilespmem:s2+$0x13470] =	vst v0  }
.LBB2_16:
.Ltmp10:
0x11e: {  	(pc) =	sbr.rel @p1 .LBB2_18-.Ltmp10, $4  }
0x11f: {  	s0 =	sadd.s32 s30, s8  }
0x120: {  	s0 =	sshll.u32 s0, $0x4  }
0x121: {  	s0 =	sadd.s32 s5, s0  }
0x122: {  	[hbm4b:s0+s6] =	stream.linear.scatter [tilespmem:s24], [sflag:$0x4], $0x6400, $0x38;
	[tilespmem:$0x19A00] =	vst v63  }
0x123: {  	s0 =	sadd.s32 s30, s14  }
.Ltmp11:
0x124: {  	s2 =	sshrl.u32 s0, $0x3;
	(pc) =	sbr.rel .LBB2_2-.Ltmp11, $4  }
0x125: {  	s0 =	sshll.u32 s0, $0x4;
	s2 =	sadd.s32 s4, s2  }
0x126: {  	[tilespmem:s19], [sflag:$0x2] =	stream.linear.gather [hbm4b:s2+s6], $0xC8, $0x38;
	[tilespmem:$0x19A00] =	vst v63  }
0x127: {  	s29 =	sadd.s32 $0x1, s29;
	s0 =	sadd.s32 s1, s0  }
0x128: {  	[tilespmem:s20], [sflag:$0x2] =	stream.linear.gather [hbm4b:s0+s6], $0x6400, $0x38;
	[tilespmem:$0x19A00] =	vst v63  }
.LBB2_19:
0x129: {  	_ =	sfence.sel $0x180000  }
0x12a: {  	[bflag:$0x0] =	sbarrier.arrive $0xFFFF  }
0x12b: {  	_ =	strace $0x90000047  }
0x12c: {  	s0 =	stileid.u32;
	[bflag:$0x2] =	sbarrier.arrive $0xFFFF  }
0x12d: {  	p0 =	sne.s32 s0, $0x0;
	s0 =	rddreg [dreg:$0x4]  }
0x12e: {  	s0 =	sadd.s32 @!p0 $0x100000, s0  }
0x12f: {  	[sflag:s0] =	ssyncadd.tile.s32 @!p0 $0x1;
	_ =	shalt  }
.Lfunc_end2:
_tile_overlayer_lowered:
.L_overlay_start_2:
0x130: {  	(tag) =	ssettag $0x2  }
0x131: {  	s0 =	rddreg [dreg:$0x0];
	s2 =	stileid.u32  }
0x132: {  	s1 =	rddreg [dreg:$0x1];
	p0 =	sne.s32 s2, $0x0  }
0x133: {  	s3 =	rddreg [dreg:$0x2];
	[bflag:$0x3] =	sbarrier.arrive $0xFFFF;
	s2 =	simm.s32 @!p0 $0x1C05  }
0x134: {  	[timem:s3], [sflag:s2] =	dma.local @!p0 [hbm:s0], s1  }
0x135: {  	s0 =	simm.s32 @!p0 $0x5  }
0x136: {  	_ =	swait.ge @!p0 [sflag:s0], s1  }
0x137: {  	s1 =	ssub.s32 @!p0 $0x0, s1;
	[sflag:s0] =	ssyncset.done @!p0 $0x0  }
0x138: {  	[sflag:s0] =	ssyncadd.s32 @!p0 s1  }
0x139: {  	[bflag:$0x3] =	sbarrier.arrive $0xFFFF  }
0x13a: {  	_ =	shalt  }

</sc_bundles>
